<compile_context>
chip_gen: v7x
topology: tpu7x:2x2x1
jax: 0.10.2.dev20260603
libtpu: 0.0.44.dev20260713+nightly
codegen_flags: <defaults>
</compile_context>

<pallas_src>
import functools

import jax
import jax.numpy as jnp
from jax import lax
from jax.experimental import pallas as pl
from jax.experimental.pallas import tpu as pltpu
from jax.experimental.pallas import tpu_sc as plsc

_WS = 16
_T = _WS * _WS
_H = 16
_NV = (2 * _WS - 1) ** 2
_NC = 2
_NS = 16
_NW = _NC * _NS
_R = _T // _NW
_L = 16
_G = _T // _L


def _make_mesh():
    return plsc.VectorSubcoreMesh(
        core_axis_name="c", subcore_axis_name="s",
        num_cores=_NC, num_subcores=_NS)


@functools.partial(
    pl.kernel,
    out_type=jax.ShapeDtypeStruct((1, _H, _T, _T), jnp.float32),
    mesh=_make_mesh(),
    scratch_types=[
        pltpu.VMEM((_R, _T), jnp.int32),
        pltpu.VMEM((_NV * _H,), jnp.float32),
        pltpu.VMEM((_H, _R, _T), jnp.float32),
        pltpu.SemaphoreType.DMA,
        pltpu.SemaphoreType.DMA,
    ],
    compiler_params=pltpu.CompilerParams(needs_layout_passes=False),
)
def _rpb_gather(tabt_hbm, idx_hbm, out_hbm, idx_v, tab_v, out_v, sem, sem_in):
    wid = lax.axis_index("s") * _NC + lax.axis_index("c")
    row0 = wid * _R
    tab_cp = pltpu.async_copy(tabt_hbm, tab_v, sem_in)
    idx_cp = pltpu.async_copy(idx_hbm.at[pl.ds(row0, _R), :], idx_v, sem_in)
    tab_cp.wait()
    idx_cp.wait()

    @pl.loop(0, _R)
    def _rows(r):
        @plsc.parallel_loop(0, _G, unroll=2)
        def _body(g):
            off = g * _L
            flat = idx_v[r, pl.ds(off, _L)] * _H
            for h in range(_H):
                out_v[h, r, pl.ds(off, _L)] = plsc.load_gather(
                    tab_v, [flat + h])
        pltpu.async_copy(
            out_v.at[:, pl.ds(r, 1), :],
            out_hbm.at[0, :, pl.ds(row0 + r, 1), :], sem)

    for r in range(_R):
        pltpu.make_async_copy(
            out_v.at[:, pl.ds(r, 1), :],
            out_hbm.at[0, :, pl.ds(r, 1), :], sem).wait()


def kernel(relative_position_bias_table, relative_position_index):
    return _rpb_gather(relative_position_bias_table.reshape(-1),
                       relative_position_index)

# --- scband reference (transcript-rebuilt; emitter-appended) ---
"""Pipeline reference for scband-relative-position-bias-32624571581015 (READ-ONLY COPY).

The authoritative reference and input builder live on the scoring server;
editing this copy changes nothing except your own understanding.
"""

import jax, jax.numpy as jnp
import numpy as np

WINDOW_SIZE = 16
NUM_HEADS = 16


def _create_position_index(ws):
    coords_h = np.arange(ws)
    coords_w = np.arange(ws)
    coords = np.stack(np.meshgrid(coords_h, coords_w, indexing='ij'))  # (2, ws, ws)
    coords_flatten = coords.reshape(2, -1)  # (2, T)
    relative_coords = coords_flatten[:, :, None] - coords_flatten[:, None, :]  # (2, T, T)
    relative_coords = relative_coords.transpose(1, 2, 0).copy()  # (T, T, 2)
    relative_coords += ws - 1
    relative_coords[:, :, 0] *= 2 * ws - 1
    return relative_coords.sum(-1)  # (T, T)


def setup_inputs(seed: int = 0) -> dict:
    key = jax.random.key(seed)
    num_entries = (2 * WINDOW_SIZE - 1) * (2 * WINDOW_SIZE - 1)  # 961
    # trunc_normal(std=0.02) approximated with clipped normal
    table = jnp.clip(jax.random.normal(key, (num_entries, NUM_HEADS), dtype=jnp.float32) * 0.02, -0.04, 0.04)
    rel_index = jnp.asarray(_create_position_index(WINDOW_SIZE), dtype=jnp.int32)  # (256, 256)
    return {
        'relative_position_bias_table': table,
        'relative_position_index': rel_index,
    }


def reference(relative_position_bias_table, relative_position_index):
    T = WINDOW_SIZE * WINDOW_SIZE
    flat_idx = relative_position_index.reshape(-1)  # (T*T,)
    bias = jnp.take(relative_position_bias_table, flat_idx, axis=0)  # (T*T, num_heads)
    bias = bias.reshape(T, T, -1)  # (T, T, num_heads)
    bias = jnp.transpose(bias, (2, 0, 1))  # (num_heads, T, T)
    return bias[None]  # (1, num_heads, T, T)

if __name__ == "__main__":
    import jax
    _d = setup_inputs()
    print(jax.jit(kernel)(*tuple(_d.values())))

</pallas_src>

<mosaic_0001>
#map = affine_map<(d0, d1) -> (0)>
#map1 = affine_map<(d0, d1) -> (0, 0)>
#map2 = affine_map<(d0, d1) -> (0, 0, 0, 0)>
module attributes {stable_mosaic.version = 14 : i64} {
  func.func @_rpb_gather(%arg0: i32, %arg1: i32, %arg2: memref<15376xf32, #tpu.memory_space<hbm>>, %arg3: memref<256x256xi32, #tpu.memory_space<hbm>>, %arg4: memref<1x16x256x256xf32, #tpu.memory_space<hbm>>, %arg5: memref<8x256xi32, #tpu.memory_space<vmem>>, %arg6: memref<15376xf32, #tpu.memory_space<vmem>>, %arg7: memref<16x8x256xf32, #tpu.memory_space<vmem>>, %arg8: memref<!tpu.dma_semaphore, #tpu.memory_space<semaphore_mem>>, %arg9: memref<!tpu.dma_semaphore, #tpu.memory_space<semaphore_mem>>) attributes {dimension_semantics = [#tpu.dimension_semantics<core_parallel>, #tpu.dimension_semantics<subcore_parallel>], iteration_bounds = array<i64: 2, 16>, scalar_prefetch = 0 : i64, scratch_operands = 5 : i64, tpu.core_type = #tpu.core_type<sc_vector_subcore>, window_params = [{transform_indices = #map}, {transform_indices = #map1}, {transform_indices = #map2}]} {
    %mul3A = arith.constant 2 : i32
    %mul3A_0 = arith.muli %arg1, %mul3A : i32
    %add3A = arith.addi %mul3A_0, %arg0 : i32
    %mul3A_1 = arith.constant 8 : i32
    %mul3A_2 = arith.muli %add3A, %mul3A_1 : i32
    tpu.enqueue_dma source(%arg2 : memref<15376xf32, #tpu.memory_space<hbm>>) target(%arg6 : memref<15376xf32, #tpu.memory_space<vmem>>) target_semaphore(%arg9 : memref<!tpu.dma_semaphore, #tpu.memory_space<semaphore_mem>>)
    %dma_start3A = arith.constant 0 : i32
    %dma_start3A_3 = tpu.memref_slice %arg3[%mul3A_2, %dma_start3A] : memref<256x256xi32, #tpu.memory_space<hbm>> -> memref<8x256xi32, #tpu.memory_space<hbm>>
    %dma_start3A_4 = arith.constant 0 : i32
    %dma_start3A_5 = tpu.memref_slice %arg3[%mul3A_2, %dma_start3A_4] : memref<256x256xi32, #tpu.memory_space<hbm>> -> memref<8x256xi32, #tpu.memory_space<hbm>>
    tpu.enqueue_dma source(%dma_start3A_5 : memref<8x256xi32, #tpu.memory_space<hbm>>) target(%arg5 : memref<8x256xi32, #tpu.memory_space<vmem>>) target_semaphore(%arg9 : memref<!tpu.dma_semaphore, #tpu.memory_space<semaphore_mem>>)
    tpu.wait_dma2 semaphore(%arg9 : memref<!tpu.dma_semaphore, #tpu.memory_space<semaphore_mem>>) src(%arg2 : memref<15376xf32, #tpu.memory_space<hbm>>) dst(%arg6 : memref<15376xf32, #tpu.memory_space<vmem>>)
    %dma_wait3A = arith.constant 0 : i32
    %dma_wait3A_6 = tpu.memref_slice %arg3[%mul3A_2, %dma_wait3A] : memref<256x256xi32, #tpu.memory_space<hbm>> -> memref<8x256xi32, #tpu.memory_space<hbm>>
    %dma_wait3A_7 = arith.constant 0 : i32
    %dma_wait3A_8 = tpu.memref_slice %arg3[%mul3A_2, %dma_wait3A_7] : memref<256x256xi32, #tpu.memory_space<hbm>> -> memref<8x256xi32, #tpu.memory_space<hbm>>
    tpu.wait_dma2 semaphore(%arg9 : memref<!tpu.dma_semaphore, #tpu.memory_space<semaphore_mem>>) src(%dma_wait3A_8 : memref<8x256xi32, #tpu.memory_space<hbm>>) dst(%arg5 : memref<8x256xi32, #tpu.memory_space<vmem>>)
    %scan3A = arith.constant 0 : i32
    %scan3A_9 = arith.constant 8 : i32
    %scan3A_10 = arith.addi %scan3A, %scan3A_9 : i32
    %scan3A_11 = arith.constant 1 : i32
    scf.for %scan3A_165 = %scan3A to %scan3A_10 step %scan3A_11  : i32 {
      %mul3A_166 = arith.constant 1 : i32
      %mul3A_167 = arith.muli %scan3A_165, %mul3A_166 : i32
      %add3A_168 = arith.constant 0 : i32
      %add3A_169 = arith.addi %add3A_168, %mul3A_167 : i32
      %parallel_loop3A = arith.constant 0 : i32
      %parallel_loop3A_170 = arith.constant 16 : i32
      %parallel_loop3A_171 = arith.constant 1 : i32
      scf.for %parallel_loop3A_188 = %parallel_loop3A to %parallel_loop3A_170 step %parallel_loop3A_171  : i32 {
        %parallel_loop3A_189 = arith.constant 16 : i32
        %parallel_loop3A_190 = arith.muli %parallel_loop3A_188, %parallel_loop3A_189 : i32
        %parallel_loop3A_191 = arith.index_cast %add3A_169 : i32 to index
        %parallel_loop3A_192 = arith.index_cast %parallel_loop3A_190 : i32 to index
        %parallel_loop3A_193 = tpu.vector_load %arg5[%parallel_loop3A_191, %parallel_loop3A_192] {strides = array<i32>} : memref<8x256xi32, #tpu.memory_space<vmem>>, vector<16xi32>,
        %parallel_loop3A_194 = arith.constant 16 : i32
        %parallel_loop3A_195 = vector.broadcast %parallel_loop3A_194 : i32 to vector<16xi32>
        %parallel_loop3A_196 = arith.muli %parallel_loop3A_193, %parallel_loop3A_195 : vector<16xi32>
        %parallel_loop3A_197 = arith.constant 0 : i32
        %parallel_loop3A_198 = vector.broadcast %parallel_loop3A_197 : i32 to vector<16xi32>
        %parallel_loop3A_199 = arith.addi %parallel_loop3A_196, %parallel_loop3A_198 : vector<16xi32>
        %parallel_loop3A_200 = tpu.vector_load_idx %arg6[%parallel_loop3A_199] : memref<15376xf32, #tpu.memory_space<vmem>>[vector<16xi32>], vector<16xf32>,
        %parallel_loop3A_201 = arith.constant 0 : i32
        %parallel_loop3A_202 = arith.index_cast %parallel_loop3A_201 : i32 to index
        %parallel_loop3A_203 = arith.index_cast %add3A_169 : i32 to index
        %parallel_loop3A_204 = arith.index_cast %parallel_loop3A_190 : i32 to index
        %parallel_loop3A_205 = tpu.vector_load %arg7[%parallel_loop3A_202, %parallel_loop3A_203, %parallel_loop3A_204] {strides = array<i32>} : memref<16x8x256xf32, #tpu.memory_space<vmem>>, vector<16xf32>,
        tpu.vector_store %arg7[%parallel_loop3A_202, %parallel_loop3A_203, %parallel_loop3A_204], %parallel_loop3A_200 {strides = array<i32>} : memref<16x8x256xf32, #tpu.memory_space<vmem>>, vector<16xf32>,
        %parallel_loop3A_206 = arith.constant 1 : i32
        %parallel_loop3A_207 = vector.broadcast %parallel_loop3A_206 : i32 to vector<16xi32>
        %parallel_loop3A_208 = arith.addi %parallel_loop3A_196, %parallel_loop3A_207 : vector<16xi32>
        %parallel_loop3A_209 = tpu.vector_load_idx %arg6[%parallel_loop3A_208] : memref<15376xf32, #tpu.memory_space<vmem>>[vector<16xi32>], vector<16xf32>,
        %parallel_loop3A_210 = arith.constant 1 : i32
        %parallel_loop3A_211 = arith.index_cast %parallel_loop3A_210 : i32 to index
        %parallel_loop3A_212 = arith.index_cast %add3A_169 : i32 to index
        %parallel_loop3A_213 = arith.index_cast %parallel_loop3A_190 : i32 to index
        %parallel_loop3A_214 = tpu.vector_load %arg7[%parallel_loop3A_211, %parallel_loop3A_212, %parallel_loop3A_213] {strides = array<i32>} : memref<16x8x256xf32, #tpu.memory_space<vmem>>, vector<16xf32>,
        tpu.vector_store %arg7[%parallel_loop3A_211, %parallel_loop3A_212, %parallel_loop3A_213], %parallel_loop3A_209 {strides = array<i32>} : memref<16x8x256xf32, #tpu.memory_space<vmem>>, vector<16xf32>,
        %parallel_loop3A_215 = arith.constant 2 : i32
        %parallel_loop3A_216 = vector.broadcast %parallel_loop3A_215 : i32 to vector<16xi32>
        %parallel_loop3A_217 = arith.addi %parallel_loop3A_196, %parallel_loop3A_216 : vector<16xi32>
        %parallel_loop3A_218 = tpu.vector_load_idx %arg6[%parallel_loop3A_217] : memref<15376xf32, #tpu.memory_space<vmem>>[vector<16xi32>], vector<16xf32>,
        %parallel_loop3A_219 = arith.constant 2 : i32
        %parallel_loop3A_220 = arith.index_cast %parallel_loop3A_219 : i32 to index
        %parallel_loop3A_221 = arith.index_cast %add3A_169 : i32 to index
        %parallel_loop3A_222 = arith.index_cast %parallel_loop3A_190 : i32 to index
        %parallel_loop3A_223 = tpu.vector_load %arg7[%parallel_loop3A_220, %parallel_loop3A_221, %parallel_loop3A_222] {strides = array<i32>} : memref<16x8x256xf32, #tpu.memory_space<vmem>>, vector<16xf32>,
        tpu.vector_store %arg7[%parallel_loop3A_220, %parallel_loop3A_221, %parallel_loop3A_222], %parallel_loop3A_218 {strides = array<i32>} : memref<16x8x256xf32, #tpu.memory_space<vmem>>, vector<16xf32>,
        %parallel_loop3A_224 = arith.constant 3 : i32
        %parallel_loop3A_225 = vector.broadcast %parallel_loop3A_224 : i32 to vector<16xi32>
        %parallel_loop3A_226 = arith.addi %parallel_loop3A_196, %parallel_loop3A_225 : vector<16xi32>
        %parallel_loop3A_227 = tpu.vector_load_idx %arg6[%parallel_loop3A_226] : memref<15376xf32, #tpu.memory_space<vmem>>[vector<16xi32>], vector<16xf32>,
        %parallel_loop3A_228 = arith.constant 3 : i32
        %parallel_loop3A_229 = arith.index_cast %parallel_loop3A_228 : i32 to index
        %parallel_loop3A_230 = arith.index_cast %add3A_169 : i32 to index
        %parallel_loop3A_231 = arith.index_cast %parallel_loop3A_190 : i32 to index
        %parallel_loop3A_232 = tpu.vector_load %arg7[%parallel_loop3A_229, %parallel_loop3A_230, %parallel_loop3A_231] {strides = array<i32>} : memref<16x8x256xf32, #tpu.memory_space<vmem>>, vector<16xf32>,
        tpu.vector_store %arg7[%parallel_loop3A_229, %parallel_loop3A_230, %parallel_loop3A_231], %parallel_loop3A_227 {strides = array<i32>} : memref<16x8x256xf32, #tpu.memory_space<vmem>>, vector<16xf32>,
        %parallel_loop3A_233 = arith.constant 4 : i32
        %parallel_loop3A_234 = vector.broadcast %parallel_loop3A_233 : i32 to vector<16xi32>
        %parallel_loop3A_235 = arith.addi %parallel_loop3A_196, %parallel_loop3A_234 : vector<16xi32>
        %parallel_loop3A_236 = tpu.vector_load_idx %arg6[%parallel_loop3A_235] : memref<15376xf32, #tpu.memory_space<vmem>>[vector<16xi32>], vector<16xf32>,
        %parallel_loop3A_237 = arith.constant 4 : i32
        %parallel_loop3A_238 = arith.index_cast %parallel_loop3A_237 : i32 to index
        %parallel_loop3A_239 = arith.index_cast %add3A_169 : i32 to index
        %parallel_loop3A_240 = arith.index_cast %parallel_loop3A_190 : i32 to index
        %parallel_loop3A_241 = tpu.vector_load %arg7[%parallel_loop3A_238, %parallel_loop3A_239, %parallel_loop3A_240] {strides = array<i32>} : memref<16x8x256xf32, #tpu.memory_space<vmem>>, vector<16xf32>,
        tpu.vector_store %arg7[%parallel_loop3A_238, %parallel_loop3A_239, %parallel_loop3A_240], %parallel_loop3A_236 {strides = array<i32>} : memref<16x8x256xf32, #tpu.memory_space<vmem>>, vector<16xf32>,
        %parallel_loop3A_242 = arith.constant 5 : i32
        %parallel_loop3A_243 = vector.broadcast %parallel_loop3A_242 : i32 to vector<16xi32>
        %parallel_loop3A_244 = arith.addi %parallel_loop3A_196, %parallel_loop3A_243 : vector<16xi32>
        %parallel_loop3A_245 = tpu.vector_load_idx %arg6[%parallel_loop3A_244] : memref<15376xf32, #tpu.memory_space<vmem>>[vector<16xi32>], vector<16xf32>,
        %parallel_loop3A_246 = arith.constant 5 : i32
        %parallel_loop3A_247 = arith.index_cast %parallel_loop3A_246 : i32 to index
        %parallel_loop3A_248 = arith.index_cast %add3A_169 : i32 to index
        %parallel_loop3A_249 = arith.index_cast %parallel_loop3A_190 : i32 to index
        %parallel_loop3A_250 = tpu.vector_load %arg7[%parallel_loop3A_247, %parallel_loop3A_248, %parallel_loop3A_249] {strides = array<i32>} : memref<16x8x256xf32, #tpu.memory_space<vmem>>, vector<16xf32>,
        tpu.vector_store %arg7[%parallel_loop3A_247, %parallel_loop3A_248, %parallel_loop3A_249], %parallel_loop3A_245 {strides = array<i32>} : memref<16x8x256xf32, #tpu.memory_space<vmem>>, vector<16xf32>,
        %parallel_loop3A_251 = arith.constant 6 : i32
        %parallel_loop3A_252 = vector.broadcast %parallel_loop3A_251 : i32 to vector<16xi32>
        %parallel_loop3A_253 = arith.addi %parallel_loop3A_196, %parallel_loop3A_252 : vector<16xi32>
        %parallel_loop3A_254 = tpu.vector_load_idx %arg6[%parallel_loop3A_253] : memref<15376xf32, #tpu.memory_space<vmem>>[vector<16xi32>], vector<16xf32>,
        %parallel_loop3A_255 = arith.constant 6 : i32
        %parallel_loop3A_256 = arith.index_cast %parallel_loop3A_255 : i32 to index
        %parallel_loop3A_257 = arith.index_cast %add3A_169 : i32 to index
        %parallel_loop3A_258 = arith.index_cast %parallel_loop3A_190 : i32 to index
        %parallel_loop3A_259 = tpu.vector_load %arg7[%parallel_loop3A_256, %parallel_loop3A_257, %parallel_loop3A_258] {strides = array<i32>} : memref<16x8x256xf32, #tpu.memory_space<vmem>>, vector<16xf32>,
        tpu.vector_store %arg7[%parallel_loop3A_256, %parallel_loop3A_257, %parallel_loop3A_258], %parallel_loop3A_254 {strides = array<i32>} : memref<16x8x256xf32, #tpu.memory_space<vmem>>, vector<16xf32>,
        %parallel_loop3A_260 = arith.constant 7 : i32
        %parallel_loop3A_261 = vector.broadcast %parallel_loop3A_260 : i32 to vector<16xi32>
        %parallel_loop3A_262 = arith.addi %parallel_loop3A_196, %parallel_loop3A_261 : vector<16xi32>
        %parallel_loop3A_263 = tpu.vector_load_idx %arg6[%parallel_loop3A_262] : memref<15376xf32, #tpu.memory_space<vmem>>[vector<16xi32>], vector<16xf32>,
        %parallel_loop3A_264 = arith.constant 7 : i32
        %parallel_loop3A_265 = arith.index_cast %parallel_loop3A_264 : i32 to index
        %parallel_loop3A_266 = arith.index_cast %add3A_169 : i32 to index
        %parallel_loop3A_267 = arith.index_cast %parallel_loop3A_190 : i32 to index
        %parallel_loop3A_268 = tpu.vector_load %arg7[%parallel_loop3A_265, %parallel_loop3A_266, %parallel_loop3A_267] {strides = array<i32>} : memref<16x8x256xf32, #tpu.memory_space<vmem>>, vector<16xf32>,
        tpu.vector_store %arg7[%parallel_loop3A_265, %parallel_loop3A_266, %parallel_loop3A_267], %parallel_loop3A_263 {strides = array<i32>} : memref<16x8x256xf32, #tpu.memory_space<vmem>>, vector<16xf32>,
        %parallel_loop3A_269 = arith.constant 8 : i32
        %parallel_loop3A_270 = vector.broadcast %parallel_loop3A_269 : i32 to vector<16xi32>
        %parallel_loop3A_271 = arith.addi %parallel_loop3A_196, %parallel_loop3A_270 : vector<16xi32>
        %parallel_loop3A_272 = tpu.vector_load_idx %arg6[%parallel_loop3A_271] : memref<15376xf32, #tpu.memory_space<vmem>>[vector<16xi32>], vector<16xf32>,
        %parallel_loop3A_273 = arith.constant 8 : i32
        %parallel_loop3A_274 = arith.index_cast %parallel_loop3A_273 : i32 to index
        %parallel_loop3A_275 = arith.index_cast %add3A_169 : i32 to index
        %parallel_loop3A_276 = arith.index_cast %parallel_loop3A_190 : i32 to index
        %parallel_loop3A_277 = tpu.vector_load %arg7[%parallel_loop3A_274, %parallel_loop3A_275, %parallel_loop3A_276] {strides = array<i32>} : memref<16x8x256xf32, #tpu.memory_space<vmem>>, vector<16xf32>,
        tpu.vector_store %arg7[%parallel_loop3A_274, %parallel_loop3A_275, %parallel_loop3A_276], %parallel_loop3A_272 {strides = array<i32>} : memref<16x8x256xf32, #tpu.memory_space<vmem>>, vector<16xf32>,
        %parallel_loop3A_278 = arith.constant 9 : i32
        %parallel_loop3A_279 = vector.broadcast %parallel_loop3A_278 : i32 to vector<16xi32>
        %parallel_loop3A_280 = arith.addi %parallel_loop3A_196, %parallel_loop3A_279 : vector<16xi32>
        %parallel_loop3A_281 = tpu.vector_load_idx %arg6[%parallel_loop3A_280] : memref<15376xf32, #tpu.memory_space<vmem>>[vector<16xi32>], vector<16xf32>,
        %parallel_loop3A_282 = arith.constant 9 : i32
        %parallel_loop3A_283 = arith.index_cast %parallel_loop3A_282 : i32 to index
        %parallel_loop3A_284 = arith.index_cast %add3A_169 : i32 to index
        %parallel_loop3A_285 = arith.index_cast %parallel_loop3A_190 : i32 to index
        %parallel_loop3A_286 = tpu.vector_load %arg7[%parallel_loop3A_283, %parallel_loop3A_284, %parallel_loop3A_285] {strides = array<i32>} : memref<16x8x256xf32, #tpu.memory_space<vmem>>, vector<16xf32>,
        tpu.vector_store %arg7[%parallel_loop3A_283, %parallel_loop3A_284, %parallel_loop3A_285], %parallel_loop3A_281 {strides = array<i32>} : memref<16x8x256xf32, #tpu.memory_space<vmem>>, vector<16xf32>,
        %parallel_loop3A_287 = arith.constant 10 : i32
        %parallel_loop3A_288 = vector.broadcast %parallel_loop3A_287 : i32 to vector<16xi32>
        %parallel_loop3A_289 = arith.addi %parallel_loop3A_196, %parallel_loop3A_288 : vector<16xi32>
        %parallel_loop3A_290 = tpu.vector_load_idx %arg6[%parallel_loop3A_289] : memref<15376xf32, #tpu.memory_space<vmem>>[vector<16xi32>], vector<16xf32>,
        %parallel_loop3A_291 = arith.constant 10 : i32
        %parallel_loop3A_292 = arith.index_cast %parallel_loop3A_291 : i32 to index
        %parallel_loop3A_293 = arith.index_cast %add3A_169 : i32 to index
        %parallel_loop3A_294 = arith.index_cast %parallel_loop3A_190 : i32 to index
        %parallel_loop3A_295 = tpu.vector_load %arg7[%parallel_loop3A_292, %parallel_loop3A_293, %parallel_loop3A_294] {strides = array<i32>} : memref<16x8x256xf32, #tpu.memory_space<vmem>>, vector<16xf32>,
        tpu.vector_store %arg7[%parallel_loop3A_292, %parallel_loop3A_293, %parallel_loop3A_294], %parallel_loop3A_290 {strides = array<i32>} : memref<16x8x256xf32, #tpu.memory_space<vmem>>, vector<16xf32>,
        %parallel_loop3A_296 = arith.constant 11 : i32
        %parallel_loop3A_297 = vector.broadcast %parallel_loop3A_296 : i32 to vector<16xi32>
        %parallel_loop3A_298 = arith.addi %parallel_loop3A_196, %parallel_loop3A_297 : vector<16xi32>
        %parallel_loop3A_299 = tpu.vector_load_idx %arg6[%parallel_loop3A_298] : memref<15376xf32, #tpu.memory_space<vmem>>[vector<16xi32>], vector<16xf32>,
        %parallel_loop3A_300 = arith.constant 11 : i32
        %parallel_loop3A_301 = arith.index_cast %parallel_loop3A_300 : i32 to index
        %parallel_loop3A_302 = arith.index_cast %add3A_169 : i32 to index
        %parallel_loop3A_303 = arith.index_cast %parallel_loop3A_190 : i32 to index
        %parallel_loop3A_304 = tpu.vector_load %arg7[%parallel_loop3A_301, %parallel_loop3A_302, %parallel_loop3A_303] {strides = array<i32>} : memref<16x8x256xf32, #tpu.memory_space<vmem>>, vector<16xf32>,
        tpu.vector_store %arg7[%parallel_loop3A_301, %parallel_loop3A_302, %parallel_loop3A_303], %parallel_loop3A_299 {strides = array<i32>} : memref<16x8x256xf32, #tpu.memory_space<vmem>>, vector<16xf32>,
        %parallel_loop3A_305 = arith.constant 12 : i32
        %parallel_loop3A_306 = vector.broadcast %parallel_loop3A_305 : i32 to vector<16xi32>
        %parallel_loop3A_307 = arith.addi %parallel_loop3A_196, %parallel_loop3A_306 : vector<16xi32>
        %parallel_loop3A_308 = tpu.vector_load_idx %arg6[%parallel_loop3A_307] : memref<15376xf32, #tpu.memory_space<vmem>>[vector<16xi32>], vector<16xf32>,
        %parallel_loop3A_309 = arith.constant 12 : i32
        %parallel_loop3A_310 = arith.index_cast %parallel_loop3A_309 : i32 to index
        %parallel_loop3A_311 = arith.index_cast %add3A_169 : i32 to index
        %parallel_loop3A_312 = arith.index_cast %parallel_loop3A_190 : i32 to index
        %parallel_loop3A_313 = tpu.vector_load %arg7[%parallel_loop3A_310, %parallel_loop3A_311, %parallel_loop3A_312] {strides = array<i32>} : memref<16x8x256xf32, #tpu.memory_space<vmem>>, vector<16xf32>,
        tpu.vector_store %arg7[%parallel_loop3A_310, %parallel_loop3A_311, %parallel_loop3A_312], %parallel_loop3A_308 {strides = array<i32>} : memref<16x8x256xf32, #tpu.memory_space<vmem>>, vector<16xf32>,
        %parallel_loop3A_314 = arith.constant 13 : i32
        %parallel_loop3A_315 = vector.broadcast %parallel_loop3A_314 : i32 to vector<16xi32>
        %parallel_loop3A_316 = arith.addi %parallel_loop3A_196, %parallel_loop3A_315 : vector<16xi32>
        %parallel_loop3A_317 = tpu.vector_load_idx %arg6[%parallel_loop3A_316] : memref<15376xf32, #tpu.memory_space<vmem>>[vector<16xi32>], vector<16xf32>,
        %parallel_loop3A_318 = arith.constant 13 : i32
        %parallel_loop3A_319 = arith.index_cast %parallel_loop3A_318 : i32 to index
        %parallel_loop3A_320 = arith.index_cast %add3A_169 : i32 to index
        %parallel_loop3A_321 = arith.index_cast %parallel_loop3A_190 : i32 to index
        %parallel_loop3A_322 = tpu.vector_load %arg7[%parallel_loop3A_319, %parallel_loop3A_320, %parallel_loop3A_321] {strides = array<i32>} : memref<16x8x256xf32, #tpu.memory_space<vmem>>, vector<16xf32>,
        tpu.vector_store %arg7[%parallel_loop3A_319, %parallel_loop3A_320, %parallel_loop3A_321], %parallel_loop3A_317 {strides = array<i32>} : memref<16x8x256xf32, #tpu.memory_space<vmem>>, vector<16xf32>,
        %parallel_loop3A_323 = arith.constant 14 : i32
        %parallel_loop3A_324 = vector.broadcast %parallel_loop3A_323 : i32 to vector<16xi32>
        %parallel_loop3A_325 = arith.addi %parallel_loop3A_196, %parallel_loop3A_324 : vector<16xi32>
        %parallel_loop3A_326 = tpu.vector_load_idx %arg6[%parallel_loop3A_325] : memref<15376xf32, #tpu.memory_space<vmem>>[vector<16xi32>], vector<16xf32>,
        %parallel_loop3A_327 = arith.constant 14 : i32
        %parallel_loop3A_328 = arith.index_cast %parallel_loop3A_327 : i32 to index
        %parallel_loop3A_329 = arith.index_cast %add3A_169 : i32 to index
        %parallel_loop3A_330 = arith.index_cast %parallel_loop3A_190 : i32 to index
        %parallel_loop3A_331 = tpu.vector_load %arg7[%parallel_loop3A_328, %parallel_loop3A_329, %parallel_loop3A_330] {strides = array<i32>} : memref<16x8x256xf32, #tpu.memory_space<vmem>>, vector<16xf32>,
        tpu.vector_store %arg7[%parallel_loop3A_328, %parallel_loop3A_329, %parallel_loop3A_330], %parallel_loop3A_326 {strides = array<i32>} : memref<16x8x256xf32, #tpu.memory_space<vmem>>, vector<16xf32>,
        %parallel_loop3A_332 = arith.constant 15 : i32
        %parallel_loop3A_333 = vector.broadcast %parallel_loop3A_332 : i32 to vector<16xi32>
        %parallel_loop3A_334 = arith.addi %parallel_loop3A_196, %parallel_loop3A_333 : vector<16xi32>
        %parallel_loop3A_335 = tpu.vector_load_idx %arg6[%parallel_loop3A_334] : memref<15376xf32, #tpu.memory_space<vmem>>[vector<16xi32>], vector<16xf32>,
        %parallel_loop3A_336 = arith.constant 15 : i32
        %parallel_loop3A_337 = arith.index_cast %parallel_loop3A_336 : i32 to index
        %parallel_loop3A_338 = arith.index_cast %add3A_169 : i32 to index
        %parallel_loop3A_339 = arith.index_cast %parallel_loop3A_190 : i32 to index
        %parallel_loop3A_340 = tpu.vector_load %arg7[%parallel_loop3A_337, %parallel_loop3A_338, %parallel_loop3A_339] {strides = array<i32>} : memref<16x8x256xf32, #tpu.memory_space<vmem>>, vector<16xf32>,
        tpu.vector_store %arg7[%parallel_loop3A_337, %parallel_loop3A_338, %parallel_loop3A_339], %parallel_loop3A_335 {strides = array<i32>} : memref<16x8x256xf32, #tpu.memory_space<vmem>>, vector<16xf32>,
      } {sc.loop_unroll_factor = 2 : i64, sc.parallel_access}
      %add3A_172 = arith.addi %mul3A_2, %add3A_169 : i32
      %dma_start3A_173 = arith.constant 0 : i32
      %dma_start3A_174 = arith.constant 0 : i32
      %dma_start3A_175 = arith.constant 0 : i32
      %dma_start3A_176 = tpu.memref_slice %arg7[%dma_start3A_174, %add3A_169, %dma_start3A_175] : memref<16x8x256xf32, #tpu.memory_space<vmem>> -> memref<16x1x256xf32, #tpu.memory_space<vmem>>
      %dma_start3A_177 = arith.constant 0 : i32
      %dma_start3A_178 = arith.constant 0 : i32
      %dma_start3A_179 = tpu.memref_slice %arg4[%dma_start3A_173, %dma_start3A_177, %add3A_172, %dma_start3A_178] : memref<1x16x256x256xf32, #tpu.memory_space<hbm>> -> memref<1x16x1x256xf32, #tpu.memory_space<hbm>>
      %dma_start3A_180 = tpu.memref_squeeze %dma_start3A_179 : memref<1x16x1x256xf32, #tpu.memory_space<hbm>> -> memref<16x1x256xf32, #tpu.memory_space<hbm>>
      %dma_start3A_181 = arith.constant 0 : i32
      %dma_start3A_182 = arith.constant 0 : i32
      %dma_start3A_183 = tpu.memref_slice %arg4[%dma_start3A_173, %dma_start3A_181, %add3A_172, %dma_start3A_182] : memref<1x16x256x256xf32, #tpu.memory_space<hbm>> -> memref<1x16x1x256xf32, #tpu.memory_space<hbm>>
      %dma_start3A_184 = tpu.memref_squeeze %dma_start3A_183 : memref<1x16x1x256xf32, #tpu.memory_space<hbm>> -> memref<16x1x256xf32, #tpu.memory_space<hbm>>
      %dma_start3A_185 = arith.constant 0 : i32
      %dma_start3A_186 = arith.constant 0 : i32
      %dma_start3A_187 = tpu.memref_slice %arg7[%dma_start3A_185, %add3A_169, %dma_start3A_186] : memref<16x8x256xf32, #tpu.memory_space<vmem>> -> memref<16x1x256xf32, #tpu.memory_space<vmem>>
      tpu.enqueue_dma source(%dma_start3A_187 : memref<16x1x256xf32, #tpu.memory_space<vmem>>) target(%dma_start3A_184 : memref<16x1x256xf32, #tpu.memory_space<hbm>>) target_semaphore(%arg8 : memref<!tpu.dma_semaphore, #tpu.memory_space<semaphore_mem>>)
    }
    %scan3A_12 = arith.constant 8 : i32
    %dma_wait3A_13 = arith.constant 0 : i32
    %dma_wait3A_14 = arith.constant 0 : i32
    %dma_wait3A_15 = arith.constant 0 : i32
    %dma_wait3A_16 = arith.constant 0 : i32
    %dma_wait3A_17 = tpu.memref_slice %arg7[%dma_wait3A_14, %dma_wait3A_15, %dma_wait3A_16] : memref<16x8x256xf32, #tpu.memory_space<vmem>> -> memref<16x1x256xf32, #tpu.memory_space<vmem>>
    %dma_wait3A_18 = arith.constant 0 : i32
    %dma_wait3A_19 = arith.constant 0 : i32
    %dma_wait3A_20 = arith.constant 0 : i32
    %dma_wait3A_21 = tpu.memref_slice %arg4[%dma_wait3A_13, %dma_wait3A_18, %dma_wait3A_19, %dma_wait3A_20] : memref<1x16x256x256xf32, #tpu.memory_space<hbm>> -> memref<1x16x1x256xf32, #tpu.memory_space<hbm>>
    %dma_wait3A_22 = tpu.memref_squeeze %dma_wait3A_21 : memref<1x16x1x256xf32, #tpu.memory_space<hbm>> -> memref<16x1x256xf32, #tpu.memory_space<hbm>>
    %dma_wait3A_23 = arith.constant 0 : i32
    %dma_wait3A_24 = arith.constant 0 : i32
    %dma_wait3A_25 = arith.constant 0 : i32
    %dma_wait3A_26 = tpu.memref_slice %arg4[%dma_wait3A_13, %dma_wait3A_23, %dma_wait3A_24, %dma_wait3A_25] : memref<1x16x256x256xf32, #tpu.memory_space<hbm>> -> memref<1x16x1x256xf32, #tpu.memory_space<hbm>>
    %dma_wait3A_27 = tpu.memref_squeeze %dma_wait3A_26 : memref<1x16x1x256xf32, #tpu.memory_space<hbm>> -> memref<16x1x256xf32, #tpu.memory_space<hbm>>
    %dma_wait3A_28 = arith.constant 0 : i32
    %dma_wait3A_29 = arith.constant 0 : i32
    %dma_wait3A_30 = arith.constant 0 : i32
    %dma_wait3A_31 = tpu.memref_slice %arg7[%dma_wait3A_28, %dma_wait3A_29, %dma_wait3A_30] : memref<16x8x256xf32, #tpu.memory_space<vmem>> -> memref<16x1x256xf32, #tpu.memory_space<vmem>>
    tpu.wait_dma2 semaphore(%arg8 : memref<!tpu.dma_semaphore, #tpu.memory_space<semaphore_mem>>) src(%dma_wait3A_31 : memref<16x1x256xf32, #tpu.memory_space<vmem>>) dst(%dma_wait3A_27 : memref<16x1x256xf32, #tpu.memory_space<hbm>>)
    %dma_wait3A_32 = arith.constant 0 : i32
    %dma_wait3A_33 = arith.constant 0 : i32
    %dma_wait3A_34 = arith.constant 1 : i32
    %dma_wait3A_35 = arith.constant 0 : i32
    %dma_wait3A_36 = tpu.memref_slice %arg7[%dma_wait3A_33, %dma_wait3A_34, %dma_wait3A_35] : memref<16x8x256xf32, #tpu.memory_space<vmem>> -> memref<16x1x256xf32, #tpu.memory_space<vmem>>
    %dma_wait3A_37 = arith.constant 0 : i32
    %dma_wait3A_38 = arith.constant 1 : i32
    %dma_wait3A_39 = arith.constant 0 : i32
    %dma_wait3A_40 = tpu.memref_slice %arg4[%dma_wait3A_32, %dma_wait3A_37, %dma_wait3A_38, %dma_wait3A_39] : memref<1x16x256x256xf32, #tpu.memory_space<hbm>> -> memref<1x16x1x256xf32, #tpu.memory_space<hbm>>
    %dma_wait3A_41 = tpu.memref_squeeze %dma_wait3A_40 : memref<1x16x1x256xf32, #tpu.memory_space<hbm>> -> memref<16x1x256xf32, #tpu.memory_space<hbm>>
    %dma_wait3A_42 = arith.constant 0 : i32
    %dma_wait3A_43 = arith.constant 1 : i32
    %dma_wait3A_44 = arith.constant 0 : i32
    %dma_wait3A_45 = tpu.memref_slice %arg4[%dma_wait3A_32, %dma_wait3A_42, %dma_wait3A_43, %dma_wait3A_44] : memref<1x16x256x256xf32, #tpu.memory_space<hbm>> -> memref<1x16x1x256xf32, #tpu.memory_space<hbm>>
    %dma_wait3A_46 = tpu.memref_squeeze %dma_wait3A_45 : memref<1x16x1x256xf32, #tpu.memory_space<hbm>> -> memref<16x1x256xf32, #tpu.memory_space<hbm>>
    %dma_wait3A_47 = arith.constant 0 : i32
    %dma_wait3A_48 = arith.constant 1 : i32
    %dma_wait3A_49 = arith.constant 0 : i32
    %dma_wait3A_50 = tpu.memref_slice %arg7[%dma_wait3A_47, %dma_wait3A_48, %dma_wait3A_49] : memref<16x8x256xf32, #tpu.memory_space<vmem>> -> memref<16x1x256xf32, #tpu.memory_space<vmem>>
    tpu.wait_dma2 semaphore(%arg8 : memref<!tpu.dma_semaphore, #tpu.memory_space<semaphore_mem>>) src(%dma_wait3A_50 : memref<16x1x256xf32, #tpu.memory_space<vmem>>) dst(%dma_wait3A_46 : memref<16x1x256xf32, #tpu.memory_space<hbm>>)
    %dma_wait3A_51 = arith.constant 0 : i32
    %dma_wait3A_52 = arith.constant 0 : i32
    %dma_wait3A_53 = arith.constant 2 : i32
    %dma_wait3A_54 = arith.constant 0 : i32
    %dma_wait3A_55 = tpu.memref_slice %arg7[%dma_wait3A_52, %dma_wait3A_53, %dma_wait3A_54] : memref<16x8x256xf32, #tpu.memory_space<vmem>> -> memref<16x1x256xf32, #tpu.memory_space<vmem>>
    %dma_wait3A_56 = arith.constant 0 : i32
    %dma_wait3A_57 = arith.constant 2 : i32
    %dma_wait3A_58 = arith.constant 0 : i32
    %dma_wait3A_59 = tpu.memref_slice %arg4[%dma_wait3A_51, %dma_wait3A_56, %dma_wait3A_57, %dma_wait3A_58] : memref<1x16x256x256xf32, #tpu.memory_space<hbm>> -> memref<1x16x1x256xf32, #tpu.memory_space<hbm>>
    %dma_wait3A_60 = tpu.memref_squeeze %dma_wait3A_59 : memref<1x16x1x256xf32, #tpu.memory_space<hbm>> -> memref<16x1x256xf32, #tpu.memory_space<hbm>>
    %dma_wait3A_61 = arith.constant 0 : i32
    %dma_wait3A_62 = arith.constant 2 : i32
    %dma_wait3A_63 = arith.constant 0 : i32
    %dma_wait3A_64 = tpu.memref_slice %arg4[%dma_wait3A_51, %dma_wait3A_61, %dma_wait3A_62, %dma_wait3A_63] : memref<1x16x256x256xf32, #tpu.memory_space<hbm>> -> memref<1x16x1x256xf32, #tpu.memory_space<hbm>>
    %dma_wait3A_65 = tpu.memref_squeeze %dma_wait3A_64 : memref<1x16x1x256xf32, #tpu.memory_space<hbm>> -> memref<16x1x256xf32, #tpu.memory_space<hbm>>
    %dma_wait3A_66 = arith.constant 0 : i32
    %dma_wait3A_67 = arith.constant 2 : i32
    %dma_wait3A_68 = arith.constant 0 : i32
    %dma_wait3A_69 = tpu.memref_slice %arg7[%dma_wait3A_66, %dma_wait3A_67, %dma_wait3A_68] : memref<16x8x256xf32, #tpu.memory_space<vmem>> -> memref<16x1x256xf32, #tpu.memory_space<vmem>>
    tpu.wait_dma2 semaphore(%arg8 : memref<!tpu.dma_semaphore, #tpu.memory_space<semaphore_mem>>) src(%dma_wait3A_69 : memref<16x1x256xf32, #tpu.memory_space<vmem>>) dst(%dma_wait3A_65 : memref<16x1x256xf32, #tpu.memory_space<hbm>>)
    %dma_wait3A_70 = arith.constant 0 : i32
    %dma_wait3A_71 = arith.constant 0 : i32
    %dma_wait3A_72 = arith.constant 3 : i32
    %dma_wait3A_73 = arith.constant 0 : i32
    %dma_wait3A_74 = tpu.memref_slice %arg7[%dma_wait3A_71, %dma_wait3A_72, %dma_wait3A_73] : memref<16x8x256xf32, #tpu.memory_space<vmem>> -> memref<16x1x256xf32, #tpu.memory_space<vmem>>
    %dma_wait3A_75 = arith.constant 0 : i32
    %dma_wait3A_76 = arith.constant 3 : i32
    %dma_wait3A_77 = arith.constant 0 : i32
    %dma_wait3A_78 = tpu.memref_slice %arg4[%dma_wait3A_70, %dma_wait3A_75, %dma_wait3A_76, %dma_wait3A_77] : memref<1x16x256x256xf32, #tpu.memory_space<hbm>> -> memref<1x16x1x256xf32, #tpu.memory_space<hbm>>
    %dma_wait3A_79 = tpu.memref_squeeze %dma_wait3A_78 : memref<1x16x1x256xf32, #tpu.memory_space<hbm>> -> memref<16x1x256xf32, #tpu.memory_space<hbm>>
    %dma_wait3A_80 = arith.constant 0 : i32
    %dma_wait3A_81 = arith.constant 3 : i32
    %dma_wait3A_82 = arith.constant 0 : i32
    %dma_wait3A_83 = tpu.memref_slice %arg4[%dma_wait3A_70, %dma_wait3A_80, %dma_wait3A_81, %dma_wait3A_82] : memref<1x16x256x256xf32, #tpu.memory_space<hbm>> -> memref<1x16x1x256xf32, #tpu.memory_space<hbm>>
    %dma_wait3A_84 = tpu.memref_squeeze %dma_wait3A_83 : memref<1x16x1x256xf32, #tpu.memory_space<hbm>> -> memref<16x1x256xf32, #tpu.memory_space<hbm>>
    %dma_wait3A_85 = arith.constant 0 : i32
    %dma_wait3A_86 = arith.constant 3 : i32
    %dma_wait3A_87 = arith.constant 0 : i32
    %dma_wait3A_88 = tpu.memref_slice %arg7[%dma_wait3A_85, %dma_wait3A_86, %dma_wait3A_87] : memref<16x8x256xf32, #tpu.memory_space<vmem>> -> memref<16x1x256xf32, #tpu.memory_space<vmem>>
    tpu.wait_dma2 semaphore(%arg8 : memref<!tpu.dma_semaphore, #tpu.memory_space<semaphore_mem>>) src(%dma_wait3A_88 : memref<16x1x256xf32, #tpu.memory_space<vmem>>) dst(%dma_wait3A_84 : memref<16x1x256xf32, #tpu.memory_space<hbm>>)
    %dma_wait3A_89 = arith.constant 0 : i32
    %dma_wait3A_90 = arith.constant 0 : i32
    %dma_wait3A_91 = arith.constant 4 : i32
    %dma_wait3A_92 = arith.constant 0 : i32
    %dma_wait3A_93 = tpu.memref_slice %arg7[%dma_wait3A_90, %dma_wait3A_91, %dma_wait3A_92] : memref<16x8x256xf32, #tpu.memory_space<vmem>> -> memref<16x1x256xf32, #tpu.memory_space<vmem>>
    %dma_wait3A_94 = arith.constant 0 : i32
    %dma_wait3A_95 = arith.constant 4 : i32
    %dma_wait3A_96 = arith.constant 0 : i32
    %dma_wait3A_97 = tpu.memref_slice %arg4[%dma_wait3A_89, %dma_wait3A_94, %dma_wait3A_95, %dma_wait3A_96] : memref<1x16x256x256xf32, #tpu.memory_space<hbm>> -> memref<1x16x1x256xf32, #tpu.memory_space<hbm>>
    %dma_wait3A_98 = tpu.memref_squeeze %dma_wait3A_97 : memref<1x16x1x256xf32, #tpu.memory_space<hbm>> -> memref<16x1x256xf32, #tpu.memory_space<hbm>>
    %dma_wait3A_99 = arith.constant 0 : i32
    %dma_wait3A_100 = arith.constant 4 : i32
    %dma_wait3A_101 = arith.constant 0 : i32
    %dma_wait3A_102 = tpu.memref_slice %arg4[%dma_wait3A_89, %dma_wait3A_99, %dma_wait3A_100, %dma_wait3A_101] : memref<1x16x256x256xf32, #tpu.memory_space<hbm>> -> memref<1x16x1x256xf32, #tpu.memory_space<hbm>>
    %dma_wait3A_103 = tpu.memref_squeeze %dma_wait3A_102 : memref<1x16x1x256xf32, #tpu.memory_space<hbm>> -> memref<16x1x256xf32, #tpu.memory_space<hbm>>
    %dma_wait3A_104 = arith.constant 0 : i32
    %dma_wait3A_105 = arith.constant 4 : i32
    %dma_wait3A_106 = arith.constant 0 : i32
    %dma_wait3A_107 = tpu.memref_slice %arg7[%dma_wait3A_104, %dma_wait3A_105, %dma_wait3A_106] : memref<16x8x256xf32, #tpu.memory_space<vmem>> -> memref<16x1x256xf32, #tpu.memory_space<vmem>>
    tpu.wait_dma2 semaphore(%arg8 : memref<!tpu.dma_semaphore, #tpu.memory_space<semaphore_mem>>) src(%dma_wait3A_107 : memref<16x1x256xf32, #tpu.memory_space<vmem>>) dst(%dma_wait3A_103 : memref<16x1x256xf32, #tpu.memory_space<hbm>>)
    %dma_wait3A_108 = arith.constant 0 : i32
    %dma_wait3A_109 = arith.constant 0 : i32
    %dma_wait3A_110 = arith.constant 5 : i32
    %dma_wait3A_111 = arith.constant 0 : i32
    %dma_wait3A_112 = tpu.memref_slice %arg7[%dma_wait3A_109, %dma_wait3A_110, %dma_wait3A_111] : memref<16x8x256xf32, #tpu.memory_space<vmem>> -> memref<16x1x256xf32, #tpu.memory_space<vmem>>
    %dma_wait3A_113 = arith.constant 0 : i32
    %dma_wait3A_114 = arith.constant 5 : i32
    %dma_wait3A_115 = arith.constant 0 : i32
    %dma_wait3A_116 = tpu.memref_slice %arg4[%dma_wait3A_108, %dma_wait3A_113, %dma_wait3A_114, %dma_wait3A_115] : memref<1x16x256x256xf32, #tpu.memory_space<hbm>> -> memref<1x16x1x256xf32, #tpu.memory_space<hbm>>
    %dma_wait3A_117 = tpu.memref_squeeze %dma_wait3A_116 : memref<1x16x1x256xf32, #tpu.memory_space<hbm>> -> memref<16x1x256xf32, #tpu.memory_space<hbm>>
    %dma_wait3A_118 = arith.constant 0 : i32
    %dma_wait3A_119 = arith.constant 5 : i32
    %dma_wait3A_120 = arith.constant 0 : i32
    %dma_wait3A_121 = tpu.memref_slice %arg4[%dma_wait3A_108, %dma_wait3A_118, %dma_wait3A_119, %dma_wait3A_120] : memref<1x16x256x256xf32, #tpu.memory_space<hbm>> -> memref<1x16x1x256xf32, #tpu.memory_space<hbm>>
    %dma_wait3A_122 = tpu.memref_squeeze %dma_wait3A_121 : memref<1x16x1x256xf32, #tpu.memory_space<hbm>> -> memref<16x1x256xf32, #tpu.memory_space<hbm>>
    %dma_wait3A_123 = arith.constant 0 : i32
    %dma_wait3A_124 = arith.constant 5 : i32
    %dma_wait3A_125 = arith.constant 0 : i32
    %dma_wait3A_126 = tpu.memref_slice %arg7[%dma_wait3A_123, %dma_wait3A_124, %dma_wait3A_125] : memref<16x8x256xf32, #tpu.memory_space<vmem>> -> memref<16x1x256xf32, #tpu.memory_space<vmem>>
    tpu.wait_dma2 semaphore(%arg8 : memref<!tpu.dma_semaphore, #tpu.memory_space<semaphore_mem>>) src(%dma_wait3A_126 : memref<16x1x256xf32, #tpu.memory_space<vmem>>) dst(%dma_wait3A_122 : memref<16x1x256xf32, #tpu.memory_space<hbm>>)
    %dma_wait3A_127 = arith.constant 0 : i32
    %dma_wait3A_128 = arith.constant 0 : i32
    %dma_wait3A_129 = arith.constant 6 : i32
    %dma_wait3A_130 = arith.constant 0 : i32
    %dma_wait3A_131 = tpu.memref_slice %arg7[%dma_wait3A_128, %dma_wait3A_129, %dma_wait3A_130] : memref<16x8x256xf32, #tpu.memory_space<vmem>> -> memref<16x1x256xf32, #tpu.memory_space<vmem>>
    %dma_wait3A_132 = arith.constant 0 : i32
    %dma_wait3A_133 = arith.constant 6 : i32
    %dma_wait3A_134 = arith.constant 0 : i32
    %dma_wait3A_135 = tpu.memref_slice %arg4[%dma_wait3A_127, %dma_wait3A_132, %dma_wait3A_133, %dma_wait3A_134] : memref<1x16x256x256xf32, #tpu.memory_space<hbm>> -> memref<1x16x1x256xf32, #tpu.memory_space<hbm>>
    %dma_wait3A_136 = tpu.memref_squeeze %dma_wait3A_135 : memref<1x16x1x256xf32, #tpu.memory_space<hbm>> -> memref<16x1x256xf32, #tpu.memory_space<hbm>>
    %dma_wait3A_137 = arith.constant 0 : i32
    %dma_wait3A_138 = arith.constant 6 : i32
    %dma_wait3A_139 = arith.constant 0 : i32
    %dma_wait3A_140 = tpu.memref_slice %arg4[%dma_wait3A_127, %dma_wait3A_137, %dma_wait3A_138, %dma_wait3A_139] : memref<1x16x256x256xf32, #tpu.memory_space<hbm>> -> memref<1x16x1x256xf32, #tpu.memory_space<hbm>>
    %dma_wait3A_141 = tpu.memref_squeeze %dma_wait3A_140 : memref<1x16x1x256xf32, #tpu.memory_space<hbm>> -> memref<16x1x256xf32, #tpu.memory_space<hbm>>
    %dma_wait3A_142 = arith.constant 0 : i32
    %dma_wait3A_143 = arith.constant 6 : i32
    %dma_wait3A_144 = arith.constant 0 : i32
    %dma_wait3A_145 = tpu.memref_slice %arg7[%dma_wait3A_142, %dma_wait3A_143, %dma_wait3A_144] : memref<16x8x256xf32, #tpu.memory_space<vmem>> -> memref<16x1x256xf32, #tpu.memory_space<vmem>>
    tpu.wait_dma2 semaphore(%arg8 : memref<!tpu.dma_semaphore, #tpu.memory_space<semaphore_mem>>) src(%dma_wait3A_145 : memref<16x1x256xf32, #tpu.memory_space<vmem>>) dst(%dma_wait3A_141 : memref<16x1x256xf32, #tpu.memory_space<hbm>>)
    %dma_wait3A_146 = arith.constant 0 : i32
    %dma_wait3A_147 = arith.constant 0 : i32
    %dma_wait3A_148 = arith.constant 7 : i32
    %dma_wait3A_149 = arith.constant 0 : i32
    %dma_wait3A_150 = tpu.memref_slice %arg7[%dma_wait3A_147, %dma_wait3A_148, %dma_wait3A_149] : memref<16x8x256xf32, #tpu.memory_space<vmem>> -> memref<16x1x256xf32, #tpu.memory_space<vmem>>
    %dma_wait3A_151 = arith.constant 0 : i32
    %dma_wait3A_152 = arith.constant 7 : i32
    %dma_wait3A_153 = arith.constant 0 : i32
    %dma_wait3A_154 = tpu.memref_slice %arg4[%dma_wait3A_146, %dma_wait3A_151, %dma_wait3A_152, %dma_wait3A_153] : memref<1x16x256x256xf32, #tpu.memory_space<hbm>> -> memref<1x16x1x256xf32, #tpu.memory_space<hbm>>
    %dma_wait3A_155 = tpu.memref_squeeze %dma_wait3A_154 : memref<1x16x1x256xf32, #tpu.memory_space<hbm>> -> memref<16x1x256xf32, #tpu.memory_space<hbm>>
    %dma_wait3A_156 = arith.constant 0 : i32
    %dma_wait3A_157 = arith.constant 7 : i32
    %dma_wait3A_158 = arith.constant 0 : i32
    %dma_wait3A_159 = tpu.memref_slice %arg4[%dma_wait3A_146, %dma_wait3A_156, %dma_wait3A_157, %dma_wait3A_158] : memref<1x16x256x256xf32, #tpu.memory_space<hbm>> -> memref<1x16x1x256xf32, #tpu.memory_space<hbm>>
    %dma_wait3A_160 = tpu.memref_squeeze %dma_wait3A_159 : memref<1x16x1x256xf32, #tpu.memory_space<hbm>> -> memref<16x1x256xf32, #tpu.memory_space<hbm>>
    %dma_wait3A_161 = arith.constant 0 : i32
    %dma_wait3A_162 = arith.constant 7 : i32
    %dma_wait3A_163 = arith.constant 0 : i32
    %dma_wait3A_164 = tpu.memref_slice %arg7[%dma_wait3A_161, %dma_wait3A_162, %dma_wait3A_163] : memref<16x8x256xf32, #tpu.memory_space<vmem>> -> memref<16x1x256xf32, #tpu.memory_space<vmem>>
    tpu.wait_dma2 semaphore(%arg8 : memref<!tpu.dma_semaphore, #tpu.memory_space<semaphore_mem>>) src(%dma_wait3A_164 : memref<16x1x256xf32, #tpu.memory_space<vmem>>) dst(%dma_wait3A_160 : memref<16x1x256xf32, #tpu.memory_space<hbm>>)
    return
  }
}

</mosaic_0001>

<sc_bundles>
// kernel: kernel.3.cloned.1.call-start
scs
__scs_entry_jumppad:
0x0: {  	(pc) =	sbr.rel $0x88, $3  }
0x1: {  	(tag) =	ssettag $0x0;
	lr =	simm.s32 $0x1  }
0x2: {  	[smem:$0x3F9F] =	sst lr;
	_ =	strace $0xD0000000  }
0x3: {  	_ = 	snop  }
0x4: {  	_ = 	snop  }
0x5: {  	_ = 	snop  }
0x6: {  	_ = 	snop  }
0x7: {  	_ = 	snop  }
__scs_overlays_trampoline_lowered:
0x8: {  	[smem:$0x3FAE] =	sst s0  }
0x9: {  	[smem:$0x3FAF] =	sst s1  }
0xa: {  	[smem:$0x3FB0] =	sst s2  }
0xb: {  	[smem:$0x3FB1] =	sst s3  }
0xc: {  	[smem:$0x3FB2] =	sst s4  }
0xd: {  	[smem:$0x3FB3] =	sst s5  }
0xe: {  	[smem:$0x3FB4] =	sst s6  }
0xf: {  	[smem:$0x3FB5] =	sst s7  }
0x10: {  	[smem:$0x3FB6] =	sst s8  }
0x11: {  	[smem:$0x3FB7] =	sst s9;
	s0 =	simm.s32 @!p0 $0x0  }
0x12: {  	s1 =	sld [smem:$0x3F9D];
	s0 =	simm.s32 @p0 $0x1  }
0x13: {  	[smem:$0x3FB8] =	sst s0;
	s0 =	simm.s32 @!p1 $0x0  }
0x14: {  	s2 =	sld [smem:$0x3F9C];
	s0 =	simm.s32 @p1 $0x1  }
0x15: {  	[smem:$0x3FB9] =	sst s0;
	s0 =	simm.s32 @!p2 $0x0  }
0x16: {  	s3 =	sld [smem:$0x3FDB];
	s0 =	simm.s32 @p2 $0x1  }
0x17: {  	s4 =	simm.s32 $0x1BF5;
	[smem:$0x3FBB] =	sst s0  }
0x18: {  	s0 =	sld [smem:$0x3F9E];
	_ =	swait.ge [sflag:s4], $0x0  }
0x19: {  	s7 =	sld [smem:$0x3F9F]  }
0x1a: {  	s8 =	sadd.s32 $0xFFFFE003, lr  }
0x1b: {  	s9 =	sadd.s32 $0xFFFFFEF7, lr;
	s5 =	simm.s32 $0xFFFFFFFF;
	p2 =	slt.u32 s8, $0xFFFFF086  }
0x1c: {  	p1 =	slt.u32 s9, $0xF7A;
	s5 =	simm.s32 @!p2 $0x0  }
0x1d: {  	s5 =	simm.s32 @p1 $0x1;
	p0 =	seq.s32 s7, s2  }
0x1e: {  	s7 =	smul.u32 @!p0 $0xF7A, s2;
	p2 =	seq.s32 @!p0 s5, $0x0  }
0x1f: {  	s9 =	smul.u32 $0xF7A, s1;
	s8 =	simm.s32 @!p0 $0x1BF5;
	p2 =	por !p2, p0  }
0x20: {  	[sflag:s8] =	ssyncset.s32 @!p0 $0xFFFFF086;
	s6 =	sadd.s32 @!p0 s3, s7;
	s7 =	simm.s32 @!p0 $0x108  }
0x21: {  	s3 =	sadd.s32 s3, s9;
	s6 =	sadd.s32 @!p0 $0x88, s6;
	s7 =	simm.s32 @p2 $0x1082  }
0x22: {  	[simem:s7], [sflag:s8] =	dma.local @!p0 [hbm:s6], $0xF7A  }
0x23: {  	s9 =	sor.u32 $0xD0000000, s2;
	s6 =	simm.s32 $0x108;
	_ =	swait.ge @!p0 [sflag:s8], $0x0  }
0x24: {  	s3 =	sadd.s32 $0x88, s3;
	s6 =	simm.s32 @!p1 $0x1082;
	[sflag:s4] =	ssyncset.s32 $0xFFFFF086  }
0x25: {  	[simem:s6], [sflag:s4] =	dma.local [hbm:s3], $0xF7A  }
0x26: {  	[smem:$0x3F9F] =	sst s1;
	(tag) =	ssettag s2;
	_ =	strace s9  }
0x27: {  	s1 =	sld [smem:$0x3FAF]  }
0x28: {  	s2 =	sld [smem:$0x3FB0]  }
0x29: {  	s4 =	sld [smem:$0x3FB2]  }
0x2a: {  	p0 =	seq.s32 s5, $0x0;
	s5 =	sld [smem:$0x3FB3]  }
0x2b: {  	s6 =	sld [smem:$0x3FB4]  }
0x2c: {  	s7 =	sld [smem:$0x3FB5]  }
0x2d: {  	s3 =	simm.s32 $0x108;
	s8 =	sld [smem:$0x3FB6]  }
0x2e: {  	s3 =	simm.s32 @!p0 $0x1082;
	s9 =	sld [smem:$0x3FB7]  }
0x2f: {  	lr =	sadd.s32 s0, s3;
	s0 =	sld [smem:$0x3FAE]  }
0x30: {  	s3 =	sld [smem:$0x3FB1]  }
0x31: {  	[smem:$0x3FBA] =	sst s10  }
0x32: {  	s10 =	sld [smem:$0x3FB8];
	_ =	sdelay $0x3  }
0x33: {  	p0 =	seq.s32 s10, $0x1;
	s10 =	sld [smem:$0x3FBA];
	_ =	sdelay $0x3  }
0x34: {  	[smem:$0x3FBA] =	sst s10  }
0x35: {  	s10 =	sld [smem:$0x3FB9];
	_ =	sdelay $0x3  }
0x36: {  	p1 =	seq.s32 s10, $0x1;
	s10 =	sld [smem:$0x3FBA];
	_ =	sdelay $0x3  }
0x37: {  	[smem:$0x3FBA] =	sst s10  }
0x38: {  	s10 =	sld [smem:$0x3FBB]  }
0x39: {  	_ = 	snop;
	(pc) =	sbr.ind lr, $3  }
0x3a: {  	_ = 	snop  }
0x3b: {  	_ = 	snop  }
0x3c: {  	p2 =	seq.s32 s10, $0x1;
	s10 =	sld [smem:$0x3FBA]  }
0x3d: {  	_ =	shalt  }
0x3e: {  	_ =	shalt  }
0x3f: {  	_ =	shalt  }
0x40: {  	_ =	shalt  }
0x41: {  	_ =	shalt  }
0x42: {  	_ =	shalt  }
0x43: {  	_ =	shalt  }
0x44: {  	_ =	shalt  }
0x45: {  	_ =	shalt  }
0x46: {  	_ =	shalt  }
0x47: {  	_ =	shalt  }
0x48: {  	_ =	shalt  }
0x49: {  	_ =	shalt  }
0x4a: {  	_ =	shalt  }
0x4b: {  	_ =	shalt  }
0x4c: {  	_ =	shalt  }
0x4d: {  	_ =	shalt  }
0x4e: {  	_ =	shalt  }
0x4f: {  	_ =	shalt  }
0x50: {  	_ =	shalt  }
0x51: {  	_ =	shalt  }
0x52: {  	_ =	shalt  }
0x53: {  	_ =	shalt  }
0x54: {  	_ =	shalt  }
0x55: {  	_ =	shalt  }
0x56: {  	_ =	shalt  }
0x57: {  	_ =	shalt  }
0x58: {  	_ =	shalt  }
0x59: {  	_ =	shalt  }
0x5a: {  	_ =	shalt  }
0x5b: {  	_ =	shalt  }
0x5c: {  	_ =	shalt  }
0x5d: {  	_ =	shalt  }
0x5e: {  	_ =	shalt  }
0x5f: {  	_ =	shalt  }
0x60: {  	_ =	shalt  }
0x61: {  	_ =	shalt  }
0x62: {  	_ =	shalt  }
0x63: {  	_ =	shalt  }
0x64: {  	_ =	shalt  }
0x65: {  	_ =	shalt  }
0x66: {  	_ =	shalt  }
0x67: {  	_ =	shalt  }
0x68: {  	_ =	shalt  }
0x69: {  	_ =	shalt  }
0x6a: {  	_ =	shalt  }
0x6b: {  	_ =	shalt  }
0x6c: {  	_ =	shalt  }
0x6d: {  	_ =	shalt  }
0x6e: {  	_ =	shalt  }
0x6f: {  	_ =	shalt  }
0x70: {  	_ =	shalt  }
0x71: {  	_ =	shalt  }
0x72: {  	_ =	shalt  }
0x73: {  	_ =	shalt  }
0x74: {  	_ =	shalt  }
0x75: {  	_ =	shalt  }
0x76: {  	_ =	shalt  }
0x77: {  	_ =	shalt  }
0x78: {  	_ =	shalt  }
0x79: {  	_ =	shalt  }
0x7a: {  	_ =	shalt  }
0x7b: {  	_ =	shalt  }
0x7c: {  	_ =	shalt  }
0x7d: {  	_ =	shalt  }
0x7e: {  	_ =	shalt  }
0x7f: {  	_ =	shalt  }
0x80: {  	_ =	shalt  }
0x81: {  	_ =	shalt  }
0x82: {  	_ =	shalt  }
0x83: {  	_ =	shalt  }
0x84: {  	_ =	shalt  }
0x85: {  	_ =	shalt  }
0x86: {  	_ =	shalt  }
0x87: {  	_ =	shalt  }
.Lfunc_end0:
.L_simem_size_0:
called_computation_lowered:
.L_overlay_start_0:
0x88: {  	s2 =	sld [smem:$0x3FD9]  }
0x89: {  	s3 =	sld [smem:$0x3FFE];
	_ =	sdelay $0x1  }
0x8a: {  	s1 =	srdreg.scid  }
0x8b: {  	s0 =	sand.u32 $0x1, s1  }
0x8c: {  	s17 =	sshll.u32 s0, $0xA;
	s2 =	sadd.s32 s3, s2  }
0x8d: {  	s2 =	sadd.s32 s2, s17  }
0x8e: {  	[smem:$0x3FC6] =	sst s2  }
0x8f: {  	_ = 	snop  }
0x90: {  	s2 =	sld [smem:$0x3FC8]  }
0x91: {  	s18 =	sld [smem:$0x3FD0];
	(tm) =	ssettm $0x1  }
0x92: {  	s4 =	sld [smem:$0x3FFB];
	_ =	sdelay $0x3  }
0x93: {  	_ =	strace s4  }
0x94: {  	s4 =	sld [smem:$0x3FFC];
	_ =	sdelay $0x3  }
0x95: {  	_ =	strace s4  }
0x96: {  	s4 =	sld [smem:$0x3FFD];
	_ =	sdelay $0x3  }
0x97: {  	_ =	strace s4  }
0x98: {  	_ =	strace $0x8FFFFFFF  }
0x99: {  	s19 =	sld [smem:$0x3FDB];
	_ =	sdelay $0x1  }
0x9a: {  	s5 =	simm.s32 $_scs_section_size  }
0x9b: {  	s6 =	simm.s32 $_size__tile_overlayer_lowered;
	s7 =	simm.s32 $_tile_overlayer_lowered  }
0x9c: {  	s22 =	simm.s32 $0x1BFF;
	s21 =	sshll.u32 s7, $0x1;
	s4 =	sadd.s32 s5, s19  }
0x9d: {  	s8 =	simm.s32 $0x0;
	s20 =	sshll.u32 s6, $0x1;
	s6 =	sadd.s32 s21, s4  }
0x9e: {  	[timem:s8], [sflag:s22] =	dma.local [hbm:s6], s20  }
0x9f: {  	_ =	swait.ge [sflag:s22], s20  }
0xa0: {  	s5 =	ssub.s32 $0x0, s20;
	[sflag:s22] =	ssyncset.done $0x0  }
0xa1: {  	[sflag:s22] =	ssyncadd.s32 s5;
	_ =	sdelay $0x1  }
0xa2: {  	s23 =	simm.s32 $0x1B8B  }
0xa3: {  	_ =	swait.ge [sflag:s23], $0x1  }
0xa4: {  	[sflag:s23] =	ssyncset.done $0x0  }
0xa5: {  	s25 =	simm.s32 $0x1B8E;
	s24 =	sld [smem:$0x3FFE];
	[sflag:s23] =	ssyncadd.s32 $0xFFFFFFFF  }
0xa6: {  	s26 =	simm.s32 $execute0_lowered;
	[smem:$0x3FD2] =	sst s25  }
0xa7: {  	s6 =	sshll.u32 s26, $0x1;
	_ =	strace $0x80000046;
	[dreg:$0x1] =	wrdreg $0xFFFFFFFF  }
0xa8: {  	s28 =	simm.s32 $_size_execute0_lowered;
	s4 =	sadd.s32 s4, s6;
	[dreg:$0x0] =	wrdreg $0x0  }
0xa9: {  	s6 =	sshll.u32 s28, $0x1;
	[dreg:$0x2] =	wrdreg s4  }
0xaa: {  	[dreg:$0x3] =	wrdreg s6  }
0xab: {  	[dreg:$0x4] =	wrdreg $0xC0  }
0xac: {  	_ =	task [dreg:s8], $0x5FFFF  }
0xad: {  	[dreg:$0x1] =	wrdreg $0xFFFFFFFF  }
0xae: {  	[dreg:$0x0] =	wrdreg $0x60  }
0xaf: {  	[dreg:$0x2] =	wrdreg s24  }
0xb0: {  	[dreg:$0x3] =	wrdreg s2  }
0xb1: {  	[dreg:$0x4] =	wrdreg s18  }
0xb2: {  	[dreg:$0x5] =	wrdreg $0x9  }
0xb3: {  	_ =	task.clear_ibuf [dreg:s8], $0x6FFFF;
	_ =	strace $0x90000046  }
0xb4: {  	s29 =	simm.s32 $0x9;
	_ =	strace $0x80000048  }
0xb5: {  	_ =	swait.ge [sflag:s29], $0x1  }
0xb6: {  	[sflag:s29] =	ssyncadd.s32 $0xFFFFFFFF  }
0xb7: {  	_ =	strace $0x90000048  }
0xb8: {  	_ =	sfence  }
0xb9: {  	s30 =	sld [smem:$0x0];
	_ =	sdelay $0x2  }
0xba: {  	s31 =	sshll.u32 s1, $0xD;
	s1 =	sshrl.u32 s1, $0x2  }
0xbb: {  	s3 =	sand.u32 $0x4000, s31;
	s1 =	sadd.s32 s1, s30  }
0xbc: {  	s0 =	sor.u32 s3, s0;
	s1 =	sshll.u32 s1, $0x11  }
0xbd: {  	s0 =	sor.u32 s1, s0  }
0xbe: {  	s0 =	sadd.s32 $0x8F2B, s0  }
0xbf: {  	[sflag:s0] =	ssyncadd.remote.s32 $0x1  }
0xc0: {  	_ =	sfence.sel $0xFFFF  }
0xc1: {  	[dreg:$0x0] =	wrdreg $0xFFFFFFFF;
	(pc) =	sbr.abs _section_cstart, $3  }
0xc2: {  	[dreg:$0x1] =	wrdreg $0xFFFFFFFF  }
0xc3: {  	_ =	task.clear_ibuf [dreg:s8], $0x2FFFF;
	_ =	strace $0x9FFFFFFF  }
0xc4: {  	(tm) =	ssettm $0x7FFFFFFF  }
0xc5: {  	_ =	shalt  }
tec
execute0_lowered:
.L_overlay_start_1:
0x0: {  	(tag) =	ssettag $0x1  }
0x1: {  	s0 =	rddreg [dreg:$0x0]  }
0x2: {  	s1 =	rddreg [dreg:$0x1]  }
0x3: {  	s3 =	rddreg [dreg:$0x2];
	s2 =	simm.s32 $0x0;
	s4 =	srdreg.scid  }
0x4: {  	s6 =	stileid.u32;
	[smem:$0x7FF] =	sst s2;
	s4 =	sand.u32 $0x1, s4  }
0x5: {  	s6 =	sshll.u32 s6, $0x9;
	s5 =	ssub.s32 $0x2, s4;
	s4 =	sshll.u32 s4, $0x8  }
0x6: {  	s0 =	sadd.s32 $0x400, s0;
	_ =	strace $0x80000047;
	s4 =	sor.u32 s4, s6  }
0x7: {  	[dreg:$0x13] =	wrdreg s0;
	s7 =	sshrl.u32 s5, $0x1;
	s1 =	sadd.s32 s1, s4  }
0x8: {  	s30 =	ssub.s32 s5, s7;
	s31 =	sadd.s32 s3, s4;
	[dreg:$0x14] =	wrdreg s1  }
0x9: {  	[dreg:$0x15] =	wrdreg s31;
	s0 =	smax.u32 s30, $0x1  }
0xa: {  	s7 =	simm.s32 $0x800;
	s3 =	simm.s32 $0x0;
	[dreg:$0x16] =	wrdreg s0  }
.LBB2_1:
0xb: {  	[dreg:$0x17] =	wrdreg s3  }
0xc: {  	s0 =	rddreg [dreg:$0x13]  }
0xd: {  	[tilespmem:s7], [sflag:$0x2] =	stream.linear.gather [hbm4b:s0+s2], $0x3C80, $0x38;
	[tilespmem:$0xC480] =	vst v63  }
0xe: {  	s30 =	rddreg [dreg:$0x14];
	s31 =	simm.s32 $0x2  }
0xf: {  	[tilespmem:s2], [sflag:$0x2] =	stream.linear.gather [hbm4b:s30+s2], $0x800, $0x38;
	[tilespmem:$0xC480] =	vst v63  }
0x10: {  	_ =	swait.ge [sflag:s31], $0x3C80  }
0x11: {  	[sflag:s31] =	ssyncset.done $0x0  }
0x12: {  	[sflag:s31] =	ssyncadd.s32 $0xFFFFC380  }
0x13: {  	_ =	swait.ge [sflag:s31], $0x800  }
0x14: {  	[sflag:s31] =	ssyncset.done $0x0  }
0x15: {  	s11 =	simm.s32 $0x4480;
	s6 =	simm.s32 $0x0;
	[sflag:s31] =	ssyncadd.s32 $0xFFFFF800  }
.LBB2_2:
0x16: {  	s19 =	sshll.u32 s6, $0x7  }
0x17: {  	[dreg:$0x18] =	wrdreg s6;
	s0 =	sadd.s32 $0x4C80, s19  }
0x18: {  	s20 =	sadd.s32 $0x5480, s19;
	[dreg:$0x4] =	wrdreg s0  }
0x19: {  	s21 =	sadd.s32 $0x5C80, s19;
	[dreg:$0x5] =	wrdreg s20  }
0x1a: {  	s22 =	sadd.s32 $0x6480, s19;
	[dreg:$0x6] =	wrdreg s21  }
0x1b: {  	s23 =	sadd.s32 $0x6C80, s19;
	[dreg:$0x7] =	wrdreg s22  }
0x1c: {  	s24 =	sadd.s32 $0x7480, s19;
	[dreg:$0x8] =	wrdreg s23  }
0x1d: {  	s25 =	sadd.s32 $0x7C80, s19;
	[dreg:$0x9] =	wrdreg s24  }
0x1e: {  	s26 =	sadd.s32 $0x8480, s19;
	[dreg:$0xa] =	wrdreg s25  }
0x1f: {  	s31 =	sadd.s32 $0x8C80, s19;
	[dreg:$0xb] =	wrdreg s26  }
0x20: {  	s1 =	sadd.s32 $0x9480, s19;
	[dreg:$0xc] =	wrdreg s31  }
0x21: {  	s3 =	sadd.s32 $0x9C80, s19;
	s4 =	sadd.s32 $0xA480, s19;
	[dreg:$0xd] =	wrdreg s1  }
0x22: {  	s5 =	sadd.s32 $0xAC80, s19;
	s6 =	sadd.s32 $0xB480, s19;
	[dreg:$0xe] =	wrdreg s3  }
0x23: {  	s8 =	sadd.s32 $0xBC80, s19;
	[dreg:$0xf] =	wrdreg s4;
	s1 =	simm.s32 $0x0  }
0x24: {  	[dreg:$0x10] =	wrdreg s5;
	s23 =	sand.u32 $0x60, s1;
	s25 =	sand.u32 $0x400, s1  }
0x25: {  	[dreg:$0x11] =	wrdreg s6;
	s1 =	sor.u32 s19, s25;
	s24 =	sor.u32 $0x10, s23  }
0x26: {  	[dreg:$0x12] =	wrdreg s8;
	s9 =	sor.u32 s24, s1  }
0x27: {  	v0 =	vld [tilespmem:s9+$0x0];
	_ =	sdelay $0x2  }
0x28: {  	s1 =	sor.u32 s23, s1  }
0x29: {  	v1 =	vld [tilespmem:s1+$0x0]  }
0x2a: {  	v4 =	vshll.u32 v0, $0x4;
	_ =	sdelay $0x3  }
0x2b: {  	v3 =	vshll.u32 v1, $0x4  }
0x2c: {  	v0 =	vld.idx.msk [tilespmem:v4+s7+$0x0], $0xffff  }
0x2d: {  	v1 =	vor.u32 $0x1, v4;
	_ =	sdelay $0x2  }
0x2e: {  	v2 =	vld.idx.msk [tilespmem:v3+s7+$0x0], $0xffff  }
0x2f: {  	v5 =	vor.u32 $0x1, v3;
	[tilespmem:s9+$0x4480] =	vst v0  }
0x30: {  	v0 =	vld.idx.msk [tilespmem:v1+s7+$0x0], $0xffff  }
0x31: {  	v1 =	vor.u32 $0x2, v4  }
0x32: {  	s0 =	rddreg [dreg:$0x4]  }
0x33: {  	[tilespmem:s1+$0x4480] =	vst v2;
	s0 =	sadd.s32 s25, s0  }
0x34: {  	v2 =	vld.idx.msk [tilespmem:v5+s7+$0x0], $0xffff;
	s10 =	sadd.s32 s24, s0  }
0x35: {  	[tilespmem:s10+$0x0] =	vst v0;
	v0 =	vor.u32 $0x2, v3  }
0x36: {  	v1 =	vld.idx.msk [tilespmem:v1+s7+$0x0], $0xffff  }
0x37: {  	v5 =	vor.u32 $0x3, v4  }
0x38: {  	s0 =	sadd.s32 s23, s0;
	s1 =	rddreg [dreg:$0x5]  }
0x39: {  	s14 =	simm.s32 $0x100;
	s3 =	simm.s32 $0x20;
	[tilespmem:s0+$0x0] =	vst v2;
	s12 =	sadd.s32 s25, s1  }
0x3a: {  	s14 =	sand.u32 $0x400, s14;
	s13 =	sand.u32 $0x60, s3;
	s15 =	sadd.s32 s24, s12;
	v0 =	vld.idx.msk [tilespmem:v0+s7+$0x0], $0xffff  }
0x3b: {  	v2 =	vor.u32 $0x3, v3;
	s4 =	rddreg [dreg:$0x6];
	s1 =	sor.u32 s19, s14;
	[tilespmem:s15+$0x0] =	vst v1;
	s15 =	sor.u32 $0x10, s13  }
0x3c: {  	v1 =	vld.idx.msk [tilespmem:v5+s7+$0x0], $0xffff;
	s16 =	sor.u32 s15, s1  }
0x3d: {  	v5 =	vor.u32 $0x4, v4;
	v6 =	vld [tilespmem:s16+$0x0]  }
0x3e: {  	s0 =	sadd.s32 s23, s12  }
0x3f: {  	s17 =	sadd.s32 s25, s4;
	[tilespmem:s0+$0x0] =	vst v0  }
0x40: {  	s4 =	sadd.s32 s24, s17;
	s1 =	sor.u32 s13, s1;
	v2 =	vld.idx.msk [tilespmem:v2+s7+$0x0], $0xffff  }
0x41: {  	v7 =	vor.u32 $0x4, v3;
	v8 =	vld [tilespmem:s1+$0x0];
	[tilespmem:s4+$0x0] =	vst v1  }
0x42: {  	v1 =	vld.idx.msk [tilespmem:v5+s7+$0x0], $0xffff;
	v0 =	vshll.u32 v6, $0x4  }
0x43: {  	v5 =	vor.u32 $0x5, v4  }
0x44: {  	s0 =	sadd.s32 s23, s17;
	s4 =	rddreg [dreg:$0x7]  }
0x45: {  	s18 =	sadd.s32 s25, s4;
	[tilespmem:s0+$0x0] =	vst v2  }
0x46: {  	v6 =	vshll.u32 v8, $0x4;
	s4 =	sadd.s32 s24, s18;
	v2 =	vld.idx.msk [tilespmem:v7+s7+$0x0], $0xffff  }
0x47: {  	v7 =	vor.u32 $0x5, v3;
	v8 =	vld.idx.msk [tilespmem:v0+s7+$0x0], $0xffff;
	[tilespmem:s4+$0x0] =	vst v1  }
0x48: {  	v1 =	vld.idx.msk [tilespmem:v5+s7+$0x0], $0xffff;
	v5 =	vor.u32 $0x1, v0  }
0x49: {  	v9 =	vor.u32 $0x6, v4  }
0x4a: {  	s0 =	sadd.s32 s23, s18;
	s4 =	rddreg [dreg:$0x8]  }
0x4b: {  	v10 =	vld.idx.msk [tilespmem:v6+s7+$0x0], $0xffff;
	s20 =	sadd.s32 s25, s4;
	[tilespmem:s0+$0x0] =	vst v2  }
0x4c: {  	s21 =	sadd.s32 s24, s20;
	v2 =	vor.u32 $0x1, v6;
	[tilespmem:s16+$0x4480] =	vst v8;
	v7 =	vld.idx.msk [tilespmem:v7+s7+$0x0], $0xffff  }
0x4d: {  	v8 =	vor.u32 $0x6, v3;
	v5 =	vld.idx.msk [tilespmem:v5+s7+$0x0], $0xffff;
	[tilespmem:s21+$0x0] =	vst v1  }
0x4e: {  	v1 =	vld.idx.msk [tilespmem:v9+s7+$0x0], $0xffff;
	v9 =	vor.u32 $0x2, v0  }
0x4f: {  	v11 =	vor.u32 $0x7, v4;
	s22 =	rddreg [dreg:$0x4]  }
0x50: {  	s0 =	sadd.s32 s23, s20;
	[tilespmem:s1+$0x4480] =	vst v10;
	s26 =	rddreg [dreg:$0x9];
	s31 =	sadd.s32 s14, s22  }
0x51: {  	s3 =	sadd.s32 s15, s31;
	s5 =	sadd.s32 s25, s26;
	v2 =	vld.idx.msk [tilespmem:v2+s7+$0x0], $0xffff;
	[tilespmem:s0+$0x0] =	vst v7  }
0x52: {  	s6 =	sadd.s32 s24, s5;
	v7 =	vor.u32 $0x2, v6;
	[tilespmem:s3+$0x0] =	vst v5;
	v5 =	vld.idx.msk [tilespmem:v8+s7+$0x0], $0xffff  }
0x53: {  	v8 =	vor.u32 $0x7, v3;
	v9 =	vld.idx.msk [tilespmem:v9+s7+$0x0], $0xffff;
	[tilespmem:s6+$0x0] =	vst v1  }
0x54: {  	s12 =	simm.s32 $0x200;
	v10 =	vor.u32 $0x3, v0;
	v1 =	vld.idx.msk [tilespmem:v11+s7+$0x0], $0xffff  }
0x55: {  	s16 =	simm.s32 $0x40;
	s1 =	sadd.s32 s13, s31;
	s8 =	rddreg [dreg:$0x5];
	v11 =	vor.u32 $0x8, v4  }
0x56: {  	s0 =	sadd.s32 s23, s5;
	s9 =	rddreg [dreg:$0xa];
	s10 =	sadd.s32 s14, s8;
	[tilespmem:s1+$0x0] =	vst v2  }
0x57: {  	s16 =	sand.u32 $0x60, s16;
	s17 =	sadd.s32 s15, s10;
	s4 =	sadd.s32 s25, s9;
	v2 =	vld.idx.msk [tilespmem:v7+s7+$0x0], $0xffff;
	[tilespmem:s0+$0x0] =	vst v5  }
0x58: {  	s8 =	rddreg [dreg:$0x6];
	s18 =	sadd.s32 s24, s4;
	[tilespmem:s17+$0x0] =	vst v9;
	v5 =	vld.idx.msk [tilespmem:v8+s7+$0x0], $0xffff;
	s17 =	sand.u32 $0x400, s12  }
0x59: {  	v7 =	vor.u32 $0x3, v6;
	v8 =	vld.idx.msk [tilespmem:v10+s7+$0x0], $0xffff;
	[tilespmem:s18+$0x0] =	vst v1;
	s20 =	sor.u32 s19, s17;
	s18 =	sor.u32 $0x10, s16  }
0x5a: {  	v1 =	vor.u32 $0x8, v3;
	v9 =	vld.idx.msk [tilespmem:v11+s7+$0x0], $0xffff;
	s3 =	sor.u32 s18, s20  }
0x5b: {  	v10 =	vor.u32 $0x4, v0;
	v11 =	vld [tilespmem:s3+$0x0]  }
0x5c: {  	v12 =	vor.u32 $0x9, v4;
	s1 =	sadd.s32 s13, s10;
	s0 =	sor.u32 s16, s20  }
0x5d: {  	s4 =	sadd.s32 s23, s4;
	s22 =	sadd.s32 s14, s8;
	s21 =	rddreg [dreg:$0xb];
	v13 =	vld [tilespmem:s0+$0x0];
	[tilespmem:s1+$0x0] =	vst v2  }
0x5e: {  	s8 =	sadd.s32 s15, s22;
	s26 =	sadd.s32 s25, s21;
	v2 =	vld.idx.msk [tilespmem:v7+s7+$0x0], $0xffff;
	[tilespmem:s4+$0x0] =	vst v5  }
0x5f: {  	s6 =	sadd.s32 s24, s26;
	v5 =	vor.u32 $0x4, v6;
	[tilespmem:s8+$0x0] =	vst v8;
	v7 =	vld.idx.msk [tilespmem:v1+s7+$0x0], $0xffff  }
0x60: {  	v8 =	vld.idx.msk [tilespmem:v10+s7+$0x0], $0xffff;
	[tilespmem:s6+$0x0] =	vst v9;
	v1 =	vshll.u32 v11, $0x4  }
0x61: {  	v10 =	vld.idx.msk [tilespmem:v12+s7+$0x0], $0xffff;
	v11 =	vor.u32 $0x5, v0  }
0x62: {  	s1 =	sadd.s32 s13, s22;
	s31 =	rddreg [dreg:$0x7];
	v12 =	vor.u32 $0xA, v4  }
0x63: {  	s4 =	sadd.s32 s23, s26;
	s5 =	rddreg [dreg:$0xc];
	v9 =	vshll.u32 v13, $0x4;
	s9 =	sadd.s32 s14, s31;
	[tilespmem:s1+$0x0] =	vst v2  }
0x64: {  	v2 =	vor.u32 $0x9, v3;
	s6 =	sadd.s32 s15, s9;
	s10 =	sadd.s32 s25, s5;
	v5 =	vld.idx.msk [tilespmem:v5+s7+$0x0], $0xffff;
	[tilespmem:s4+$0x0] =	vst v7  }
0x65: {  	s12 =	sadd.s32 s24, s10;
	v7 =	vor.u32 $0x5, v6;
	[tilespmem:s6+$0x0] =	vst v8;
	v13 =	vld.idx.msk [tilespmem:v1+s7+$0x0], $0xffff  }
0x66: {  	v8 =	vld.idx.msk [tilespmem:v11+s7+$0x0], $0xffff;
	[tilespmem:s12+$0x0] =	vst v10;
	v10 =	vor.u32 $0x1, v1  }
0x67: {  	v11 =	vld.idx.msk [tilespmem:v12+s7+$0x0], $0xffff;
	v12 =	vor.u32 $0x6, v0  }
0x68: {  	v15 =	vor.u32 $0xB, v4;
	s1 =	sadd.s32 s13, s9;
	s20 =	rddreg [dreg:$0x8];
	v14 =	vld.idx.msk [tilespmem:v9+s7+$0x0], $0xffff  }
0x69: {  	s21 =	rddreg [dreg:$0xd];
	s6 =	sadd.s32 s14, s20;
	v2 =	vld.idx.msk [tilespmem:v2+s7+$0x0], $0xffff;
	[tilespmem:s1+$0x0] =	vst v5  }
0x6a: {  	v5 =	vor.u32 $0x1, v9;
	s22 =	sadd.s32 s15, s6;
	s1 =	sadd.s32 s25, s21;
	v7 =	vld.idx.msk [tilespmem:v7+s7+$0x0], $0xffff;
	[tilespmem:s3+$0x4480] =	vst v13  }
0x6b: {  	s26 =	sadd.s32 s24, s1;
	v13 =	vor.u32 $0x6, v6;
	[tilespmem:s22+$0x0] =	vst v8;
	v10 =	vld.idx.msk [tilespmem:v10+s7+$0x0], $0xffff  }
0x6c: {  	s31 =	rddreg [dreg:$0x4];
	v8 =	vld.idx.msk [tilespmem:v12+s7+$0x0], $0xffff;
	[tilespmem:s26+$0x0] =	vst v11;
	v11 =	vor.u32 $0x2, v1  }
0x6d: {  	s4 =	sadd.s32 s23, s10;
	s5 =	rddreg [dreg:$0x9];
	[tilespmem:s0+$0x4480] =	vst v14;
	v14 =	vor.u32 $0x7, v0;
	v12 =	vld.idx.msk [tilespmem:v15+s7+$0x0], $0xffff  }
0x6e: {  	s6 =	sadd.s32 s13, s6;
	s9 =	rddreg [dreg:$0xe];
	s8 =	sadd.s32 s17, s31;
	[tilespmem:s4+$0x0] =	vst v2;
	v2 =	vor.u32 $0xC, v4  }
0x6f: {  	v15 =	vor.u32 $0xA, v3;
	v5 =	vld.idx.msk [tilespmem:v5+s7+$0x0], $0xffff;
	s12 =	sadd.s32 s14, s5;
	s10 =	sadd.s32 s18, s8;
	[tilespmem:s6+$0x0] =	vst v7  }
0x70: {  	v7 =	vor.u32 $0x2, v9;
	s20 =	sadd.s32 s15, s12;
	s3 =	sadd.s32 s25, s9;
	[tilespmem:s10+$0x0] =	vst v10;
	v10 =	vld.idx.msk [tilespmem:v13+s7+$0x0], $0xffff  }
0x71: {  	s0 =	sadd.s32 s24, s3;
	v13 =	vor.u32 $0x7, v6;
	[tilespmem:s20+$0x0] =	vst v8;
	v11 =	vld.idx.msk [tilespmem:v11+s7+$0x0], $0xffff  }
0x72: {  	v8 =	vld.idx.msk [tilespmem:v14+s7+$0x0], $0xffff;
	[tilespmem:s0+$0x0] =	vst v12;
	v12 =	vor.u32 $0x3, v1  }
0x73: {  	s5 =	simm.s32 $0x300;
	s8 =	sadd.s32 s16, s8;
	s21 =	rddreg [dreg:$0x5];
	v14 =	vor.u32 $0x8, v0;
	v2 =	vld.idx.msk [tilespmem:v2+s7+$0x0], $0xffff  }
0x74: {  	s6 =	sadd.s32 s13, s12;
	s22 =	rddreg [dreg:$0xa];
	v15 =	vld.idx.msk [tilespmem:v15+s7+$0x0], $0xffff;
	[tilespmem:s8+$0x0] =	vst v5;
	v5 =	vor.u32 $0xD, v4;
	s31 =	sadd.s32 s17, s21  }
0x75: {  	s20 =	rddreg [dreg:$0xf];
	v7 =	vld.idx.msk [tilespmem:v7+s7+$0x0], $0xffff;
	s0 =	sadd.s32 s14, s22;
	s21 =	sadd.s32 s18, s31;
	[tilespmem:s6+$0x0] =	vst v10  }
0x76: {  	s26 =	rddreg [dreg:$0x6];
	s28 =	sadd.s32 s15, s0;
	s6 =	sadd.s32 s25, s20;
	[tilespmem:s21+$0x0] =	vst v11;
	v11 =	vld.idx.msk [tilespmem:v13+s7+$0x0], $0xffff  }
0x77: {  	s22 =	simm.s32 $0x60;
	v10 =	vor.u32 $0xB, v3;
	s20 =	sand.u32 $0x400, s5;
	[tilespmem:s28+$0x0] =	vst v8;
	s9 =	sadd.s32 s24, s6;
	v12 =	vld.idx.msk [tilespmem:v12+s7+$0x0], $0xffff  }
0x78: {  	s1 =	sadd.s32 s23, s1;
	s21 =	sand.u32 $0x60, s22;
	v8 =	vor.u32 $0x3, v9;
	s28 =	sor.u32 s19, s20;
	v13 =	vld.idx.msk [tilespmem:v14+s7+$0x0], $0xffff;
	[tilespmem:s9+$0x0] =	vst v2  }
0x79: {  	s8 =	sadd.s32 s16, s31;
	[tilespmem:s1+$0x0] =	vst v15;
	s22 =	sor.u32 $0x10, s21;
	v2 =	vor.u32 $0x8, v6;
	s1 =	sor.u32 s21, s28;
	v5 =	vld.idx.msk [tilespmem:v5+s7+$0x0], $0xffff  }
0x7a: {  	v14 =	vor.u32 $0x4, v1;
	[tilespmem:s8+$0x0] =	vst v7;
	s4 =	sor.u32 s22, s28;
	v7 =	vld [tilespmem:s1+$0x0]  }
0x7b: {  	v16 =	vor.u32 $0x9, v0;
	v15 =	vld [tilespmem:s4+$0x0]  }
0x7c: {  	v17 =	vor.u32 $0xE, v4;
	s0 =	sadd.s32 s13, s0;
	s10 =	sadd.s32 s17, s26;
	s29 =	rddreg [dreg:$0xb];
	v10 =	vld.idx.msk [tilespmem:v10+s7+$0x0], $0xffff  }
0x7d: {  	s26 =	sadd.s32 s18, s10;
	s30 =	rddreg [dreg:$0x10];
	s28 =	sadd.s32 s14, s29;
	[tilespmem:s0+$0x0] =	vst v11;
	v11 =	vor.u32 $0xC, v3;
	v8 =	vld.idx.msk [tilespmem:v8+s7+$0x0], $0xffff  }
0x7e: {  	s12 =	sadd.s32 s15, s28;
	s0 =	sadd.s32 s25, s30;
	[tilespmem:s26+$0x0] =	vst v12;
	v12 =	vor.u32 $0x4, v9;
	v18 =	vld.idx.msk [tilespmem:v2+s7+$0x0], $0xffff  }
0x7f: {  	[tilespmem:s12+$0x0] =	vst v13;
	s31 =	sadd.s32 s24, s0;
	v13 =	vld.idx.msk [tilespmem:v14+s7+$0x0], $0xffff;
	v31 =	vshll.u32 v7, $0x4  }
0x80: {  	s3 =	sadd.s32 s23, s3;
	[tilespmem:s31+$0x0] =	vst v5;
	v5 =	vld.idx.msk [tilespmem:v16+s7+$0x0], $0xffff;
	v2 =	vshll.u32 v15, $0x4  }
0x81: {  	s9 =	sadd.s32 s16, s10;
	v14 =	vor.u32 $0x5, v1;
	[tilespmem:s3+$0x0] =	vst v10;
	v10 =	vld.idx.msk [tilespmem:v17+s7+$0x0], $0xffff  }
0x82: {  	s29 =	rddreg [dreg:$0x7];
	v15 =	vor.u32 $0xA, v0;
	v11 =	vld.idx.msk [tilespmem:v11+s7+$0x0], $0xffff;
	[tilespmem:s9+$0x0] =	vst v8  }
0x83: {  	v4 =	vor.u32 $0xF, v4;
	s28 =	sadd.s32 s13, s28;
	s5 =	rddreg [dreg:$0xc];
	s29 =	sadd.s32 s17, s29;
	v7 =	vld.idx.msk [tilespmem:v12+s7+$0x0], $0xffff  }
0x84: {  	s26 =	sadd.s32 s14, s5;
	s12 =	sadd.s32 s18, s29;
	s10 =	rddreg [dreg:$0x11];
	v8 =	vor.u32 $0x9, v6;
	[tilespmem:s28+$0x0] =	vst v18;
	v17 =	vld.idx.msk [tilespmem:v31+s7+$0x0], $0xffff  }
0x85: {  	v19 =	vor.u32 $0xD, v3;
	s28 =	sadd.s32 s15, s26;
	s3 =	sadd.s32 s25, s10;
	[tilespmem:s12+$0x0] =	vst v13;
	v12 =	vld.idx.msk [tilespmem:v2+s7+$0x0], $0xffff  }
0x86: {  	v13 =	vor.u32 $0x5, v9;
	[tilespmem:s28+$0x0] =	vst v5;
	s8 =	sadd.s32 s24, s3;
	v14 =	vld.idx.msk [tilespmem:v14+s7+$0x0], $0xffff  }
0x87: {  	s6 =	sadd.s32 s23, s6;
	v5 =	vor.u32 $0x1, v2;
	v15 =	vld.idx.msk [tilespmem:v15+s7+$0x0], $0xffff;
	[tilespmem:s8+$0x0] =	vst v10  }
0x88: {  	s5 =	sadd.s32 s16, s29;
	s28 =	rddreg [dreg:$0x8];
	v10 =	vor.u32 $0x6, v1;
	[tilespmem:s6+$0x0] =	vst v11;
	v16 =	vld.idx.msk [tilespmem:v4+s7+$0x0], $0xffff  }
0x89: {  	v18 =	vor.u32 $0xB, v0;
	s31 =	rddreg [dreg:$0xd];
	s6 =	sadd.s32 s17, s28;
	v8 =	vld.idx.msk [tilespmem:v8+s7+$0x0], $0xffff;
	[tilespmem:s5+$0x0] =	vst v7  }
0x8a: {  	v20 =	vor.u32 $0x1, v31;
	s8 =	sadd.s32 s14, s31;
	s9 =	sadd.s32 s18, s6;
	v33 =	vld.idx.msk [tilespmem:v19+s7+$0x0], $0xffff;
	[tilespmem:s4+$0x4480] =	vst v12  }
0x8b: {  	v28 =	vor.u32 $0xE, v3;
	v39 =	vor.u32 $0xB, v6;
	s10 =	sadd.s32 s15, s8;
	s29 =	rddreg [dreg:$0x12];
	v12 =	vld.idx.msk [tilespmem:v13+s7+$0x0], $0xffff;
	[tilespmem:s9+$0x0] =	vst v14  }
0x8c: {  	v23 =	vor.u32 $0x7, v9;
	v21 =	vor.u32 $0x8, v9;
	s28 =	sadd.s32 s25, s29;
	v13 =	vor.u32 $0xA, v6;
	[tilespmem:s10+$0x0] =	vst v15;
	v22 =	vld.idx.msk [tilespmem:v5+s7+$0x0], $0xffff  }
0x8d: {  	v37 =	vor.u32 $0x2, v31;
	v29 =	vor.u32 $0x3, v31;
	v14 =	vor.u32 $0x6, v9;
	s24 =	sadd.s32 s24, s28;
	s12 =	rddreg [dreg:$0x4];
	v24 =	vld.idx.msk [tilespmem:v10+s7+$0x0], $0xffff;
	[tilespmem:s1+$0x4480] =	vst v17  }
0x8e: {  	s0 =	sadd.s32 s23, s0;
	v27 =	vor.u32 $0x4, v31;
	v30 =	vor.u32 $0x7, v31;
	v25 =	vor.u32 $0x2, v2;
	v18 =	vld.idx.msk [tilespmem:v18+s7+$0x0], $0xffff;
	[tilespmem:s24+$0x0] =	vst v16  }
0x8f: {  	v26 =	vor.u32 $0x8, v31;
	v4 =	vor.u32 $0xF, v3;
	s5 =	sadd.s32 s13, s26;
	s31 =	rddreg [dreg:$0x9];
	v17 =	vor.u32 $0x7, v1;
	v35 =	vld.idx.msk [tilespmem:v20+s7+$0x0], $0xffff;
	[tilespmem:s0+$0x0] =	vst v33  }
0x90: {  	v11 =	vor.u32 $0xC, v6;
	v3 =	vor.u32 $0xF, v6;
	s6 =	sadd.s32 s16, s6;
	s9 =	rddreg [dreg:$0xe];
	s26 =	sadd.s32 s20, s12;
	[tilespmem:s5+$0x0] =	vst v8;
	v20 =	vor.u32 $0xC, v0;
	v28 =	vld.idx.msk [tilespmem:v28+s7+$0x0], $0xffff  }
0x91: {  	v7 =	vor.u32 $0xD, v6;
	v19 =	vor.u32 $0x9, v9;
	s25 =	simm.s32 $0x6;
	v15 =	vor.u32 $0xB, v9;
	s12 =	sadd.s32 s17, s31;
	s10 =	sadd.s32 s22, s26;
	[tilespmem:s6+$0x0] =	vst v12;
	v38 =	vld.idx.msk [tilespmem:v13+s7+$0x0], $0xffff  }
0x92: {  	s29 =	simm.s32 $0x80;
	v5 =	vor.u32 $0xE, v6;
	v10 =	vor.u32 $0xD, v9;
	v6 =	vor.u32 $0xF, v9;
	s1 =	sadd.s32 s14, s9;
	s24 =	sadd.s32 s18, s12;
	[tilespmem:s10+$0x0] =	vst v22;
	v40 =	vld.idx.msk [tilespmem:v14+s7+$0x0], $0xffff  }
0x93: {  	v16 =	vor.u32 $0xA, v9;
	v8 =	vor.u32 $0xE, v9;
	s5 =	sadd.s32 s13, s8;
	s31 =	sadd.s32 s15, s1;
	s12 =	sadd.s32 s16, s12;
	v33 =	vor.u32 $0xD, v0;
	[tilespmem:s24+$0x0] =	vst v24;
	v36 =	vld.idx.msk [tilespmem:v25+s7+$0x0], $0xffff  }
0x94: {  	v13 =	vor.u32 $0xC, v9;
	v12 =	vor.u32 $0xE, v31;
	v9 =	vor.u32 $0xF, v31;
	s24 =	sadd.s32 s23, s3;
	[tilespmem:s31+$0x0] =	vst v18;
	s10 =	sadd.s32 s21, s26;
	s9 =	rddreg [dreg:$0x5];
	v34 =	vld.idx.msk [tilespmem:v17+s7+$0x0], $0xffff  }
0x95: {  	v24 =	vor.u32 $0x6, v31;
	v22 =	vor.u32 $0x9, v31;
	s23 =	sadd.s32 s23, s28;
	v18 =	vor.u32 $0xC, v31;
	s26 =	sadd.s32 s13, s1;
	s31 =	rddreg [dreg:$0xa];
	v32 =	vld.idx.msk [tilespmem:v20+s7+$0x0], $0xffff;
	[tilespmem:s10+$0x0] =	vst v35  }
0x96: {  	v14 =	vor.u32 $0xD, v31;
	s28 =	simm.s32 $0x400;
	v25 =	vor.u32 $0x5, v31;
	s30 =	rddreg [dreg:$0xf];
	v37 =	vld.idx.msk [tilespmem:v37+s7+$0x0], $0xffff;
	s6 =	sadd.s32 s20, s9;
	[tilespmem:s5+$0x0] =	vst v38;
	v38 =	vor.u32 $0x3, v2  }
0x97: {  	v20 =	vor.u32 $0xA, v31;
	v17 =	vor.u32 $0xB, v31;
	v35 =	vor.u32 $0x8, v1;
	s8 =	rddreg [dreg:$0x6];
	s1 =	sadd.s32 s17, s31;
	s3 =	sadd.s32 s22, s6;
	[tilespmem:s12+$0x0] =	vst v40;
	v31 =	vld.idx.msk [tilespmem:v39+s7+$0x0], $0xffff  }
.LBB2_3:
0x98: {  	_ =	sdelay $0x1  }
0x99: {  	v56 =	vld.idx.msk [tilespmem:v23+s7+$0x0], $0xffff;
	s9 =	sadd.s32 s18, s1;
	s31 =	sand.u32 $0x400, s28;
	[tilespmem:s3+$0x0] =	vst v36  }
0x9a: {  	s0 =	sand.u32 $0x60, s29;
	s10 =	sadd.s32 s14, s30;
	v23 =	vmov v30;
	s4 =	sor.u32 s19, s31;
	v30 =	vld.idx.msk [tilespmem:v38+s7+$0x0], $0xffff;
	[tilespmem:s9+$0x0] =	vst v34  }
0x9b: {  	s12 =	sadd.s32 s15, s10;
	s30 =	sor.u32 $0x10, s0;
	s3 =	sor.u32 s0, s4;
	[tilespmem:s24+$0x0] =	vst v28;
	v34 =	vld.idx.msk [tilespmem:v35+s7+$0x0], $0xffff  }
0x9c: {  	s6 =	sadd.s32 s21, s6;
	s4 =	sor.u32 s30, s4;
	[tilespmem:s12+$0x0] =	vst v32;
	v59 =	vld [tilespmem:s3+$0x0]  }
0x9d: {  	v57 =	vor.u32 $0x4, v2;
	[tilespmem:s6+$0x0] =	vst v37;
	v28 =	vld [tilespmem:s4+$0x0]  }
0x9e: {  	v58 =	vor.u32 $0x9, v1;
	s24 =	sadd.s32 s16, s1;
	v39 =	vld.idx.msk [tilespmem:v29+s7+$0x0], $0xffff  }
0x9f: {  	s8 =	sadd.s32 s20, s8;
	s9 =	rddreg [dreg:$0xb];
	s6 =	sadd.s32 s13, s10;
	v33 =	vld.idx.msk [tilespmem:v33+s7+$0x0], $0xffff;
	[tilespmem:s24+$0x0] =	vst v56  }
0xa0: {  	s10 =	sadd.s32 s21, s8;
	s8 =	sadd.s32 s22, s8;
	s12 =	sadd.s32 s17, s9;
	v36 =	vld.idx.msk [tilespmem:v21+s7+$0x0], $0xffff;
	[tilespmem:s26+$0x0] =	vst v31  }
0xa1: {  	s5 =	rddreg [dreg:$0x10];
	v60 =	vor.u32 $0xE, v0;
	s1 =	sadd.s32 s18, s12;
	v41 =	vld.idx.msk [tilespmem:v11+s7+$0x0], $0xffff;
	[tilespmem:s8+$0x0] =	vst v30  }
0xa2: {  	s5 =	sadd.s32 s14, s5;
	v32 =	vld.idx.msk [tilespmem:v57+s7+$0x0], $0xffff;
	[tilespmem:s1+$0x0] =	vst v34;
	v28 =	vshll.u32 v28, $0x4  }
0xa3: {  	v62 =	vor.u32 $0x5, v2;
	s9 =	sadd.s32 s15, s5;
	v34 =	vld.idx.msk [tilespmem:v58+s7+$0x0], $0xffff;
	[tilespmem:s10+$0x0] =	vst v39  }
0xa4: {  	s8 =	sadd.s32 s16, s12;
	s12 =	rddreg [dreg:$0x7];
	v61 =	vshll.u32 v59, $0x4;
	[tilespmem:s9+$0x0] =	vst v33;
	v42 =	vld.idx.msk [tilespmem:v4+s7+$0x0], $0xffff  }
0xa5: {  	v40 =	vor.u32 $0xA, v1;
	s26 =	sadd.s32 s20, s12;
	s9 =	rddreg [dreg:$0xc];
	v45 =	vld.idx.msk [tilespmem:v27+s7+$0x0], $0xffff;
	[tilespmem:s8+$0x0] =	vst v36  }
0xa6: {  	s10 =	sadd.s32 s22, s26;
	v37 =	vld.idx.msk [tilespmem:v60+s7+$0x0], $0xffff;
	s24 =	sadd.s32 s17, s9;
	[tilespmem:s6+$0x0] =	vst v41  }
0xa7: {  	v63 =	vor.u32 $0xF, v0;
	v0 =	vmovc v1;
	v1 =	vmov v2;
	v2 =	vmov v28;
	s8 =	sadd.s32 s18, s24;
	v28 =	vld.idx.msk [tilespmem:v28+s7+$0x0], $0xffff;
	[tilespmem:s10+$0x0] =	vst v32  }
0xa8: {  	s1 =	sadd.s32 s13, s5;
	s5 =	rddreg [dreg:$0x11];
	v35 =	vld.idx.msk [tilespmem:v62+s7+$0x0], $0xffff;
	[tilespmem:s8+$0x0] =	vst v34  }
0xa9: {  	s12 =	sadd.s32 s21, s26;
	s5 =	sadd.s32 s14, s5;
	v54 =	vor.u32 $0x1, v2;
	v33 =	vld.idx.msk [tilespmem:v61+s7+$0x0], $0xffff;
	[tilespmem:s23+$0x0] =	vst v42  }
0xaa: {  	s26 =	sadd.s32 s16, s24;
	s24 =	sadd.s32 s13, s5;
	s5 =	sadd.s32 s15, s5;
	[tilespmem:s12+$0x0] =	vst v45;
	v40 =	vld.idx.msk [tilespmem:v40+s7+$0x0], $0xffff  }
0xab: {  	v55 =	vor.u32 $0x6, v1;
	[tilespmem:s5+$0x0] =	vst v37;
	v42 =	vld.idx.msk [tilespmem:v19+s7+$0x0], $0xffff  }
0xac: {  	v56 =	vor.u32 $0xB, v0;
	v38 =	vor.u32 $0x1, v61;
	s9 =	rddreg [dreg:$0x8];
	v39 =	vld.idx.msk [tilespmem:v63+s7+$0x0], $0xffff  }
0xad: {  	v11 =	vmovc v13;
	v13 =	vmovc v18;
	v31 =	vor.u32 $0x2, v61;
	v29 =	vor.u32 $0x3, v61;
	v18 =	vor.u32 $0x4, v61;
	s8 =	sadd.s32 s20, s9;
	s5 =	rddreg [dreg:$0xd];
	[tilespmem:s4+$0x4480] =	vst v28;
	v28 =	vld.idx.msk [tilespmem:v25+s7+$0x0], $0xffff  }
0xae: {  	v43 =	vor.u32 $0x5, v61;
	v44 =	vor.u32 $0x6, v61;
	v30 =	vor.u32 $0x7, v61;
	s9 =	sadd.s32 s21, s8;
	s8 =	sadd.s32 s22, s8;
	s5 =	sadd.s32 s17, s5;
	[tilespmem:s3+$0x4480] =	vst v33;
	v34 =	vld.idx.msk [tilespmem:v54+s7+$0x0], $0xffff  }
0xaf: {  	v21 =	vmovc v26;
	v26 =	vor.u32 $0x8, v61;
	v52 =	vor.u32 $0x9, v61;
	v46 =	vor.u32 $0xA, v61;
	s10 =	rddreg [dreg:$0x12];
	s4 =	sadd.s32 s16, s5;
	s5 =	sadd.s32 s18, s5;
	[tilespmem:s8+$0x0] =	vst v35;
	v60 =	vld.idx.msk [tilespmem:v7+s7+$0x0], $0xffff  }
0xb0: {  	s25 =	sadd.s32 $0x2, s25;
	s28 =	sadd.s32 $0x100, s28;
	v47 =	vor.u32 $0xB, v61;
	v53 =	vor.u32 $0xD, v61;
	v48 =	vor.u32 $0xE, v61;
	v27 =	vmovc v18;
	v4 =	vmovc v3;
	s6 =	sadd.s32 s14, s10;
	v35 =	vld.idx.msk [tilespmem:v55+s7+$0x0], $0xffff;
	[tilespmem:s5+$0x0] =	vst v40  }
0xb1: {  	p0 =	slt.u32 s25, $0xE;
	v3 =	vmovc v6;
	v18 =	vor.u32 $0xC, v61;
	v6 =	vmovc v9;
	v9 =	vor.u32 $0xF, v61;
	v57 =	vor.u32 $0x2, v2;
	s10 =	sadd.s32 s15, s6;
	s8 =	rddreg [dreg:$0x4];
	v61 =	vld.idx.msk [tilespmem:v38+s7+$0x0], $0xffff;
	[tilespmem:s26+$0x0] =	vst v42  }
0xb2: {  	s23 =	sadd.s32 s13, s6;
	s13 =	smov.u32 s16;
	s5 =	sadd.s32 s31, s8;
	v58 =	vld.idx.msk [tilespmem:v56+s7+$0x0], $0xffff;
	[tilespmem:s10+$0x0] =	vst v39  }
0xb3: {  	v59 =	vor.u32 $0x7, v1;
	s16 =	smov.u32 s21;
	s21 =	smov.u32 s0;
	s0 =	sadd.s32 s30, s5;
	[tilespmem:s9+$0x0] =	vst v28  }
0xb4: {  	s12 =	rddreg [dreg:$0x9];
	s14 =	smov.u32 s17;
	s17 =	smov.u32 s20;
	v63 =	vld.idx.msk [tilespmem:v16+s7+$0x0], $0xffff;
	[tilespmem:s0+$0x0] =	vst v34  }
0xb5: {  	v62 =	vor.u32 $0xC, v0;
	s15 =	rddreg [dreg:$0xe];
	s6 =	sadd.s32 s17, s12;
	s8 =	sadd.s32 s21, s5;
	v42 =	vld.idx.msk [tilespmem:v24+s7+$0x0], $0xffff;
	[tilespmem:s1+$0x0] =	vst v60  }
0xb6: {  	s3 =	sadd.s32 s14, s15;
	s10 =	sadd.s32 s16, s6;
	s6 =	sadd.s32 s22, s6;
	[tilespmem:s8+$0x0] =	vst v61;
	v36 =	vld.idx.msk [tilespmem:v57+s7+$0x0], $0xffff  }
.Ltmp0:
0xb7: {  	s26 =	sadd.s32 s13, s3;
	s3 =	sadd.s32 s18, s3;
	[tilespmem:s6+$0x0] =	vst v35;
	v28 =	vld.idx.msk [tilespmem:v5+s7+$0x0], $0xffff;
	(pc) =	sbr.rel @p0 .LBB2_3-.Ltmp0, $4  }
0xb8: {  	s29 =	sadd.s32 $0x20, s29;
	v19 =	vmov v22;
	v22 =	vmov v52;
	s20 =	smov.u32 s31;
	s12 =	rddreg [dreg:$0x5];
	v34 =	vld.idx.msk [tilespmem:v59+s7+$0x0], $0xffff;
	[tilespmem:s3+$0x0] =	vst v58  }
0xb9: {  	v25 =	vmovc v43;
	s15 =	smov.u32 s18;
	v33 =	vor.u32 $0xD, v0;
	v7 =	vmovc v10;
	v10 =	vmov v14;
	v14 =	vmov v53;
	s18 =	smov.u32 s22;
	s31 =	rddreg [dreg:$0xa];
	v37 =	vld.idx.msk [tilespmem:v31+s7+$0x0], $0xffff;
	[tilespmem:s4+$0x0] =	vst v63  }
0xba: {  	v38 =	vor.u32 $0x3, v2;
	s22 =	smov.u32 s30;
	s30 =	rddreg [dreg:$0xf];
	v16 =	vmovc v20;
	v20 =	vmovc v46;
	v24 =	vmov v44;
	v35 =	vor.u32 $0x8, v1;
	s6 =	sadd.s32 s20, s12;
	v32 =	vld.idx.msk [tilespmem:v62+s7+$0x0], $0xffff;
	[tilespmem:s10+$0x0] =	vst v42  }
0xbb: {  	s8 =	rddreg [dreg:$0x6];
	s1 =	sadd.s32 s17, s31;
	v5 =	vmovc v8;
	v8 =	vmovc v12;
	v12 =	vmov v48;
	s3 =	sadd.s32 s22, s6;
	v31 =	vld.idx.msk [tilespmem:v15+s7+$0x0], $0xffff;
	v15 =	vmov v17;
	v17 =	vmov v47  }
0xbc: {  	_ =	sdelay $0x2  }
0xbd: {  	[tilespmem:s3+$0x0] =	vst v36  }
0xbe: {  	v36 =	vld.idx.msk [tilespmem:v38+s7+$0x0], $0xffff  }
0xbf: {  	v54 =	vor.u32 $0x4, v2;
	_ =	sdelay $0x1  }
0xc0: {  	s9 =	sadd.s32 s20, s8  }
0xc1: {  	s10 =	sadd.s32 s22, s9  }
0xc2: {  	s0 =	sadd.s32 s21, s6;
	[tilespmem:s10+$0x0] =	vst v36  }
0xc3: {  	[tilespmem:s0+$0x0] =	vst v37;
	v36 =	vld.idx.msk [tilespmem:v54+s7+$0x0], $0xffff  }
0xc4: {  	v55 =	vor.u32 $0x5, v2;
	v29 =	vld.idx.msk [tilespmem:v29+s7+$0x0], $0xffff  }
0xc5: {  	s0 =	rddreg [dreg:$0x7]  }
0xc6: {  	s0 =	sadd.s32 s20, s0  }
0xc7: {  	s12 =	sadd.s32 s22, s0  }
0xc8: {  	s3 =	sadd.s32 s21, s9;
	[tilespmem:s12+$0x0] =	vst v36  }
0xc9: {  	[tilespmem:s3+$0x0] =	vst v29;
	v56 =	vld.idx.msk [tilespmem:v55+s7+$0x0], $0xffff  }
0xca: {  	v57 =	vor.u32 $0x6, v2;
	v27 =	vld.idx.msk [tilespmem:v27+s7+$0x0], $0xffff  }
0xcb: {  	s3 =	rddreg [dreg:$0x8]  }
0xcc: {  	s3 =	sadd.s32 s20, s3  }
0xcd: {  	s19 =	sadd.s32 s22, s3  }
0xce: {  	s0 =	sadd.s32 s21, s0;
	[tilespmem:s19+$0x0] =	vst v56  }
0xcf: {  	[tilespmem:s0+$0x0] =	vst v27;
	v58 =	vld.idx.msk [tilespmem:v57+s7+$0x0], $0xffff  }
0xd0: {  	v59 =	vor.u32 $0x7, v2;
	v25 =	vld.idx.msk [tilespmem:v25+s7+$0x0], $0xffff  }
0xd1: {  	s4 =	sadd.s32 s18, s1;
	s0 =	rddreg [dreg:$0x9]  }
0xd2: {  	[tilespmem:s4+$0x0] =	vst v34;
	s0 =	sadd.s32 s20, s0  }
0xd3: {  	v62 =	vld.idx.msk [tilespmem:v35+s7+$0x0], $0xffff;
	s25 =	sadd.s32 s22, s0  }
0xd4: {  	v23 =	vld.idx.msk [tilespmem:v23+s7+$0x0], $0xffff;
	v63 =	vor.u32 $0x9, v1;
	s3 =	sadd.s32 s21, s3;
	[tilespmem:s25+$0x0] =	vst v58  }
0xd5: {  	s4 =	rddreg [dreg:$0xb];
	[tilespmem:s3+$0x0] =	vst v25;
	v60 =	vld.idx.msk [tilespmem:v59+s7+$0x0], $0xffff  }
0xd6: {  	v61 =	vor.u32 $0x8, v2;
	s31 =	sadd.s32 s17, s4;
	v24 =	vld.idx.msk [tilespmem:v24+s7+$0x0], $0xffff  }
0xd7: {  	s6 =	sadd.s32 s18, s31;
	s3 =	rddreg [dreg:$0xa]  }
0xd8: {  	s29 =	sadd.s32 s16, s1;
	[tilespmem:s6+$0x0] =	vst v62;
	s3 =	sadd.s32 s20, s3  }
0xd9: {  	[tilespmem:s29+$0x0] =	vst v23;
	v36 =	vld.idx.msk [tilespmem:v63+s7+$0x0], $0xffff;
	s28 =	sadd.s32 s22, s3  }
0xda: {  	v37 =	vor.u32 $0xA, v1;
	v21 =	vld.idx.msk [tilespmem:v21+s7+$0x0], $0xffff;
	s0 =	sadd.s32 s21, s0;
	[tilespmem:s28+$0x0] =	vst v60  }
0xdb: {  	[tilespmem:s0+$0x0] =	vst v24;
	s0 =	rddreg [dreg:$0xc];
	v25 =	vld.idx.msk [tilespmem:v61+s7+$0x0], $0xffff  }
0xdc: {  	v35 =	vor.u32 $0x9, v2;
	v24 =	vld.idx.msk [tilespmem:v30+s7+$0x0], $0xffff;
	s0 =	sadd.s32 s17, s0  }
0xdd: {  	s9 =	sadd.s32 s18, s0;
	s5 =	rddreg [dreg:$0xb]  }
0xde: {  	s1 =	sadd.s32 s16, s31;
	[tilespmem:s9+$0x0] =	vst v36;
	s4 =	sadd.s32 s20, s5  }
0xdf: {  	[tilespmem:s1+$0x0] =	vst v21;
	v39 =	vld.idx.msk [tilespmem:v37+s7+$0x0], $0xffff;
	s8 =	sadd.s32 s22, s4  }
0xe0: {  	v40 =	vor.u32 $0xB, v1;
	s3 =	sadd.s32 s21, s3;
	[tilespmem:s8+$0x0] =	vst v25  }
0xe1: {  	s1 =	rddreg [dreg:$0xd];
	[tilespmem:s3+$0x0] =	vst v24;
	v23 =	vld.idx.msk [tilespmem:v35+s7+$0x0], $0xffff  }
0xe2: {  	v38 =	vor.u32 $0xA, v2;
	s1 =	sadd.s32 s17, s1;
	v24 =	vld.idx.msk [tilespmem:v26+s7+$0x0], $0xffff  }
0xe3: {  	v19 =	vld.idx.msk [tilespmem:v19+s7+$0x0], $0xffff;
	s5 =	sadd.s32 s18, s1;
	s3 =	rddreg [dreg:$0xc]  }
0xe4: {  	[tilespmem:s5+$0x0] =	vst v39;
	s3 =	sadd.s32 s20, s3  }
0xe5: {  	v42 =	vld.idx.msk [tilespmem:v40+s7+$0x0], $0xffff;
	s10 =	sadd.s32 s22, s3  }
0xe6: {  	v43 =	vor.u32 $0xC, v1;
	s4 =	sadd.s32 s21, s4;
	[tilespmem:s10+$0x0] =	vst v23  }
0xe7: {  	s0 =	sadd.s32 s16, s0;
	s5 =	rddreg [dreg:$0xe];
	[tilespmem:s4+$0x0] =	vst v24;
	v21 =	vld.idx.msk [tilespmem:v38+s7+$0x0], $0xffff  }
0xe8: {  	v41 =	vor.u32 $0xB, v2;
	[tilespmem:s0+$0x0] =	vst v19;
	s0 =	sadd.s32 s17, s5;
	v22 =	vld.idx.msk [tilespmem:v22+s7+$0x0], $0xffff  }
0xe9: {  	v16 =	vld.idx.msk [tilespmem:v16+s7+$0x0], $0xffff;
	s25 =	sadd.s32 s18, s0;
	s4 =	rddreg [dreg:$0xd]  }
0xea: {  	[tilespmem:s25+$0x0] =	vst v42;
	s4 =	sadd.s32 s20, s4  }
0xeb: {  	v19 =	vld.idx.msk [tilespmem:v43+s7+$0x0], $0xffff;
	s12 =	sadd.s32 s22, s4  }
0xec: {  	v45 =	vor.u32 $0xD, v1;
	s3 =	sadd.s32 s21, s3;
	s28 =	rddreg [dreg:$0xf];
	[tilespmem:s12+$0x0] =	vst v21  }
0xed: {  	s6 =	sadd.s32 s14, s30;
	s1 =	sadd.s32 s16, s1;
	v21 =	vld.idx.msk [tilespmem:v41+s7+$0x0], $0xffff;
	s19 =	rddreg [dreg:$0xe];
	[tilespmem:s3+$0x0] =	vst v22  }
0xee: {  	v44 =	vor.u32 $0xC, v2;
	s30 =	sadd.s32 s15, s6;
	[tilespmem:s1+$0x0] =	vst v16;
	s31 =	sadd.s32 s17, s28;
	v20 =	vld.idx.msk [tilespmem:v20+s7+$0x0], $0xffff  }
0xef: {  	[tilespmem:s30+$0x0] =	vst v32;
	v15 =	vld.idx.msk [tilespmem:v15+s7+$0x0], $0xffff;
	s12 =	sadd.s32 s18, s31  }
0xf0: {  	v46 =	vld.idx.msk [tilespmem:v33+s7+$0x0], $0xffff;
	[tilespmem:s12+$0x0] =	vst v19;
	s5 =	sadd.s32 s20, s19  }
0xf1: {  	v48 =	vor.u32 $0xE, v0;
	s8 =	rddreg [dreg:$0x10];
	[tilespmem:s26+$0x0] =	vst v31;
	v16 =	vld.idx.msk [tilespmem:v45+s7+$0x0], $0xffff;
	s29 =	sadd.s32 s22, s5  }
0xf2: {  	v49 =	vor.u32 $0xE, v1;
	v11 =	vld.idx.msk [tilespmem:v11+s7+$0x0], $0xffff;
	s9 =	sadd.s32 s21, s4;
	s3 =	rddreg [dreg:$0x10];
	[tilespmem:s29+$0x0] =	vst v21  }
0xf3: {  	s8 =	sadd.s32 s14, s8;
	s0 =	sadd.s32 s16, s0;
	v21 =	vld.idx.msk [tilespmem:v44+s7+$0x0], $0xffff;
	s10 =	rddreg [dreg:$0xf];
	[tilespmem:s9+$0x0] =	vst v20  }
0xf4: {  	v47 =	vor.u32 $0xD, v2;
	[tilespmem:s0+$0x0] =	vst v15;
	s0 =	sadd.s32 s17, s3;
	s9 =	sadd.s32 s15, s8;
	v17 =	vld.idx.msk [tilespmem:v17+s7+$0x0], $0xffff  }
0xf5: {  	v13 =	vld.idx.msk [tilespmem:v13+s7+$0x0], $0xffff;
	s28 =	sadd.s32 s18, s0;
	[tilespmem:s9+$0x0] =	vst v46  }
0xf6: {  	s29 =	sadd.s32 s13, s6;
	[tilespmem:s28+$0x0] =	vst v16;
	s4 =	sadd.s32 s20, s10;
	v51 =	vld.idx.msk [tilespmem:v48+s7+$0x0], $0xffff  }
0xf7: {  	v54 =	vld.idx.msk [tilespmem:v49+s7+$0x0], $0xffff;
	s19 =	sadd.s32 s22, s4;
	s9 =	rddreg [dreg:$0x11];
	[tilespmem:s29+$0x0] =	vst v11  }
0xf8: {  	s25 =	sadd.s32 s21, s5;
	s30 =	rddreg [dreg:$0x11];
	v7 =	vld.idx.msk [tilespmem:v7+s7+$0x0], $0xffff;
	[tilespmem:s19+$0x0] =	vst v21  }
0xf9: {  	s1 =	sadd.s32 s16, s31;
	s6 =	sadd.s32 s14, s9;
	v50 =	vld.idx.msk [tilespmem:v47+s7+$0x0], $0xffff;
	s26 =	rddreg [dreg:$0x10];
	[tilespmem:s25+$0x0] =	vst v17  }
0xfa: {  	v52 =	vor.u32 $0xE, v2;
	[tilespmem:s1+$0x0] =	vst v13;
	s10 =	sadd.s32 s17, s30;
	s9 =	sadd.s32 s15, s6;
	v53 =	vld.idx.msk [tilespmem:v18+s7+$0x0], $0xffff  }
0xfb: {  	v10 =	vld.idx.msk [tilespmem:v10+s7+$0x0], $0xffff;
	s25 =	sadd.s32 s18, s10;
	[tilespmem:s9+$0x0] =	vst v51  }
0xfc: {  	s8 =	sadd.s32 s13, s8;
	s5 =	sadd.s32 s20, s26;
	[tilespmem:s25+$0x0] =	vst v54  }
0xfd: {  	s31 =	sadd.s32 s22, s5;
	s26 =	rddreg [dreg:$0x12];
	[tilespmem:s8+$0x0] =	vst v7  }
0xfe: {  	v57 =	vor.u32 $0xF, v0;
	s12 =	sadd.s32 s21, s4;
	v5 =	vld.idx.msk [tilespmem:v5+s7+$0x0], $0xffff;
	[tilespmem:s31+$0x0] =	vst v50  }
0xff: {  	v58 =	vor.u32 $0xF, v1;
	s0 =	sadd.s32 s16, s0;
	v55 =	vld.idx.msk [tilespmem:v52+s7+$0x0], $0xffff;
	s19 =	rddreg [dreg:$0x11];
	[tilespmem:s12+$0x0] =	vst v53  }
0x100: {  	s28 =	rddreg [dreg:$0x12];
	[tilespmem:s0+$0x0] =	vst v10;
	v56 =	vld.idx.msk [tilespmem:v14+s7+$0x0], $0xffff  }
0x101: {  	[tilespmem:s24+$0x0] =	vst v28;
	v59 =	vld.idx.msk [tilespmem:v8+s7+$0x0], $0xffff  }
0x102: {  	v4 =	vld.idx.msk [tilespmem:v4+s7+$0x0], $0xffff;
	s9 =	sadd.s32 s13, s6;
	s4 =	sadd.s32 s20, s19  }
0x103: {  	v60 =	vor.u32 $0xF, v2;
	v0 =	vld.idx.msk [tilespmem:v57+s7+$0x0], $0xffff;
	s29 =	sadd.s32 s22, s4;
	[tilespmem:s9+$0x0] =	vst v5  }
0x104: {  	s30 =	sadd.s32 s21, s5;
	v1 =	vld.idx.msk [tilespmem:v58+s7+$0x0], $0xffff;
	[tilespmem:s29+$0x0] =	vst v55  }
0x105: {  	s10 =	sadd.s32 s16, s10;
	v3 =	vld.idx.msk [tilespmem:v3+s7+$0x0], $0xffff;
	s31 =	rddreg [dreg:$0x12];
	[tilespmem:s30+$0x0] =	vst v56  }
0x106: {  	s12 =	sadd.s32 s14, s26;
	[tilespmem:s10+$0x0] =	vst v59;
	v61 =	vld.idx.msk [tilespmem:v12+s7+$0x0], $0xffff  }
0x107: {  	[tilespmem:s23+$0x0] =	vst v4;
	s3 =	sadd.s32 s15, s12;
	s19 =	sadd.s32 s17, s28;
	v62 =	vld.idx.msk [tilespmem:v6+s7+$0x0], $0xffff  }
0x108: {  	[tilespmem:s3+$0x0] =	vst v0;
	s23 =	sadd.s32 s18, s19;
	v2 =	vld.idx.msk [tilespmem:v60+s7+$0x0], $0xffff  }
0x109: {  	s0 =	sadd.s32 s13, s12;
	[tilespmem:s23+$0x0] =	vst v1  }
0x10a: {  	s14 =	sadd.s32 s21, s4;
	[tilespmem:s0+$0x0] =	vst v3  }
0x10b: {  	s1 =	sadd.s32 s16, s19;
	s24 =	sadd.s32 s20, s31;
	[tilespmem:s14+$0x0] =	vst v61  }
0x10c: {  	[tilespmem:s1+$0x0] =	vst v62;
	s25 =	sadd.s32 s22, s24;
	v63 =	vld.idx.msk [tilespmem:v9+s7+$0x0], $0xffff  }
0x10d: {  	s6 =	rddreg [dreg:$0x18];
	[tilespmem:s25+$0x0] =	vst v2  }
0x10e: {  	s26 =	sshll.u32 s6, $0x4;
	s29 =	rddreg [dreg:$0x15]  }
0x10f: {  	s0 =	sadd.s32 s26, s29  }
0x110: {  	s30 =	sadd.s32 $0x0, s11;
	s28 =	sadd.s32 s21, s24;
	s31 =	sadd.s32 $0x0, s0  }
0x111: {  	s3 =	sadd.s32 $0x400, s30;
	s1 =	simm.s32 $0x2000;
	s4 =	sadd.s32 $0x80, s31;
	[tilespmem:s28+$0x0] =	vst v63  }
0x112: {  	[hbm4b:s31+s2] =	stream.linear.scatter [tilespmem:s30], [sflag:$0x1], $0x80, $0x38;
	[tilespmem:$0xC480] =	vst v63  }
.LBB2_5:
0x113: {  	[hbm4b:s4+s2] =	stream.linear.scatter [tilespmem:s3], [sflag:$0x1], $0x80, $0x38;
	[tilespmem:$0xC480] =	vst v63  }
0x114: {  	s3 =	smov.u32 s1;
	p0 =	sne.s32 s1, $0x1E000  }
.Ltmp1:
0x115: {  	s1 =	sadd.s32 $0x2000, s1;
	(pc) =	sbr.rel @p0 .LBB2_5-.Ltmp1, $4  }
0x116: {  	s4 =	sshra.s32 s3, $0x2  }
0x117: {  	s5 =	sadd.s32 s3, s0;
	s4 =	sadd.s32 s4, s11  }
0x118: {  	[hbm4b:s5+s2] =	stream.linear.scatter [tilespmem:s4], [sflag:$0x1], $0x80, $0x38;
	[tilespmem:$0xC480] =	vst v63  }
0x119: {  	s3 =	sadd.s32 $0x400, s4;
	s4 =	sadd.s32 $0x80, s5  }
0x11a: {  	s6 =	sadd.s32 $0x1, s6  }
0x11b: {  	p0 =	sne.s32 s6, $0x8  }
.Ltmp2:
0x11c: {  	_ = 	snop;
	(pc) =	sbr.rel @p0 .LBB2_2-.Ltmp2, $3  }
0x11d: {  	_ =	sdelay $0x1  }
0x11e: {  	[hbm4b:s4+s2] =	stream.linear.scatter [tilespmem:s3], [sflag:$0x1], $0x80, $0x38;
	[tilespmem:$0xC480] =	vst v63  }
0x11f: {  	s11 =	sadd.s32 $0x80, s11  }
0x120: {  	s1 =	simm.s32 $0x1  }
0x121: {  	_ =	swait.ge [sflag:s1], $0x1000  }
0x122: {  	[sflag:s1] =	ssyncset.done $0x0  }
0x123: {  	[sflag:s1] =	ssyncadd.s32 $0xFFFFF000  }
0x124: {  	_ =	swait.ge [sflag:s1], $0x1000  }
0x125: {  	[sflag:s1] =	ssyncset.done $0x0  }
0x126: {  	[sflag:s1] =	ssyncadd.s32 $0xFFFFF000  }
0x127: {  	_ =	swait.ge [sflag:s1], $0x1000  }
0x128: {  	[sflag:s1] =	ssyncset.done $0x0  }
0x129: {  	[sflag:s1] =	ssyncadd.s32 $0xFFFFF000  }
0x12a: {  	_ =	swait.ge [sflag:s1], $0x1000  }
0x12b: {  	[sflag:s1] =	ssyncset.done $0x0  }
0x12c: {  	[sflag:s1] =	ssyncadd.s32 $0xFFFFF000  }
0x12d: {  	_ =	swait.ge [sflag:s1], $0x1000  }
0x12e: {  	[sflag:s1] =	ssyncset.done $0x0  }
0x12f: {  	[sflag:s1] =	ssyncadd.s32 $0xFFFFF000  }
0x130: {  	_ =	swait.ge [sflag:s1], $0x1000  }
0x131: {  	[sflag:s1] =	ssyncset.done $0x0  }
0x132: {  	[sflag:s1] =	ssyncadd.s32 $0xFFFFF000  }
0x133: {  	_ =	swait.ge [sflag:s1], $0x1000  }
0x134: {  	[sflag:s1] =	ssyncset.done $0x0  }
0x135: {  	[sflag:s1] =	ssyncadd.s32 $0xFFFFF000  }
0x136: {  	_ =	swait.ge [sflag:s1], $0x1000  }
0x137: {  	s3 =	rddreg [dreg:$0x17]  }
0x138: {  	s0 =	rddreg [dreg:$0x16];
	s3 =	sadd.s32 $0x1, s3  }
0x139: {  	p0 =	sne.s32 s3, s0  }
.Ltmp3:
0x13a: {  	_ = 	snop;
	(pc) =	sbr.rel @p0 .LBB2_1-.Ltmp3, $3  }
0x13b: {  	_ =	sdelay $0x1  }
0x13c: {  	[sflag:s1] =	ssyncset.done $0x0  }
0x13d: {  	[sflag:s1] =	ssyncadd.s32 $0xFFFFF000  }
0x13e: {  	_ =	sfence.sel $0x180000  }
0x13f: {  	[bflag:$0x0] =	sbarrier.arrive $0xFFFF  }
0x140: {  	_ =	strace $0x90000047  }
0x141: {  	s0 =	stileid.u32;
	[bflag:$0x2] =	sbarrier.arrive $0xFFFF  }
0x142: {  	p0 =	sne.s32 s0, $0x0;
	s0 =	rddreg [dreg:$0x3]  }
0x143: {  	s0 =	sadd.s32 @!p0 $0x100000, s0  }
0x144: {  	[sflag:s0] =	ssyncadd.tile.s32 @!p0 $0x1;
	_ =	shalt  }
.Lfunc_end2:
_tile_overlayer_lowered:
.L_overlay_start_2:
0x145: {  	(tag) =	ssettag $0x2  }
0x146: {  	s0 =	rddreg [dreg:$0x0];
	s2 =	stileid.u32  }
0x147: {  	s1 =	rddreg [dreg:$0x1];
	p0 =	sne.s32 s2, $0x0  }
0x148: {  	s3 =	rddreg [dreg:$0x2];
	[bflag:$0x3] =	sbarrier.arrive $0xFFFF;
	s2 =	simm.s32 @!p0 $0x1C03  }
0x149: {  	[timem:s3], [sflag:s2] =	dma.local @!p0 [hbm:s0], s1  }
0x14a: {  	s0 =	simm.s32 @!p0 $0x3  }
0x14b: {  	_ =	swait.ge @!p0 [sflag:s0], s1  }
0x14c: {  	s1 =	ssub.s32 @!p0 $0x0, s1;
	[sflag:s0] =	ssyncset.done @!p0 $0x0  }
0x14d: {  	[sflag:s0] =	ssyncadd.s32 @!p0 s1  }
0x14e: {  	[bflag:$0x3] =	sbarrier.arrive $0xFFFF  }
0x14f: {  	_ =	shalt  }

</sc_bundles>
